<compile_context>
chip_gen: v7x
topology: tpu7x:2x2x1
jax: 0.10.2.dev20260603
libtpu: 0.0.44.dev20260713+nightly
codegen_flags: <defaults>
</compile_context>

<pallas_src>
import jax
import jax.numpy as jnp
import numpy as np
from jax import lax
from jax.experimental import pallas as pl
from jax.experimental.pallas import tpu as pltpu
from jax.experimental.pallas import tpu_sc as plsc

_B, _H, _L = 16, 512, 64
_ROWS = _B * _H
_HB = 256
_NLAYER = 32
_CW = _NLAYER * _L
_NW = 32
_RB = 4
_RPW = _ROWS // _NW
_NCHUNK = _RPW // _RB


def _pattern_np():
    r = np.arange(_L)[:, None]
    c = np.arange(_L)[None, :]
    d = c - r
    pat = (d >= 0) & (d <= 15)
    pat |= (r % 2 == 0) & (d % 2 == 1) & (d >= 17) & (d <= 31)
    pat |= (r % 4 == 0) & (d % 4 == 3) & (d >= 35)
    return pat


def _index_tables():
    pat = _pattern_np()
    rr, cc = np.nonzero(pat)
    d = cc - rr
    layer = np.where(
        d <= 15, d,
        np.where(d <= 31, 16 + (d - 17) // 2, 24 + (d - 35) // 4))
    src = (layer * _L + rr).astype(np.int32)
    return src, rr.astype(np.int32), cc.astype(np.int32), src.size


_ISRC, _IR, _IC, _NIDX = _index_tables()
_NVEC = _NIDX // 16


def _layers_kernel(x_ref, out_ref):
    xb = x_ref[...]
    layers = []
    cur = xb
    layers.append(cur)
    for _ in range(15):
        cur = jnp.maximum(cur, jnp.roll(cur, -1, axis=-1))
        layers.append(cur)
    w16 = cur
    for i in range(8):
        layers.append(jnp.maximum(w16, jnp.roll(w16, -(2 + 2 * i), axis=-1)))
    w32 = jnp.maximum(w16, jnp.roll(w16, -16, axis=-1))
    for i in range(8):
        layers.append(jnp.maximum(w32, jnp.roll(w32, -(4 + 4 * i), axis=-1)))
    out_ref[...] = jnp.concatenate(layers, axis=-1)


def _mask_kernel(out_ref):
    r = lax.broadcasted_iota(jnp.int32, (_L, _L), 0)
    c = lax.broadcasted_iota(jnp.int32, (_L, _L), 1)
    d = c - r
    pat = (d >= 0) & (d <= 15)
    pat |= (r % 2 == 0) & (d % 2 == 1) & (d >= 17) & (d <= 31)
    pat |= (r % 4 == 0) & (d % 4 == 3) & (d >= 35)
    out_ref[...] = jnp.broadcast_to(
        pat.astype(out_ref.dtype)[None, None], out_ref.shape)


def _expand_kernel(c_hbm, zin_hbm, isrc_hbm, ir_hbm, ic_hbm, out_hbm,
                   cin0, cin1, vout0, vout1, isrc_v, ir_v, ic_v,
                   ci_sem0, ci_sem1, vo_sem0, vo_sem1):
    wid = lax.axis_index("s") * 2 + lax.axis_index("c")
    row0 = wid * _RPW
    b = row0 // _H
    h0 = row0 % _H
    cins = (cin0, cin1)
    vouts = (vout0, vout1)
    ci_sems = (ci_sem0, ci_sem1)
    vo_sems = (vo_sem0, vo_sem1)
    pltpu.sync_copy(isrc_hbm, isrc_v)
    pltpu.sync_copy(ir_hbm, ir_v)
    pltpu.sync_copy(ic_hbm, ic_v)
    pltpu.sync_copy(zin_hbm, vout0)
    pltpu.sync_copy(zin_hbm, vout1)

    def cin_dma(ch, t):
        return pltpu.make_async_copy(
            c_hbm.at[pl.ds(row0 + ch * _RB, _RB)], cins[t], ci_sems[t])

    def vout_dma(ch, t):
        return pltpu.make_async_copy(
            vouts[t], out_hbm.at[b, pl.ds(h0 + ch * _RB, _RB)], vo_sems[t])

    cin_dma(0, 0).start()

    def pair_body(g2, _):
        for t in range(2):
            ch = 2 * g2 + t
            cin_dma(ch, t).wait()
            if t == 0:
                cin_dma(ch + 1, 1).start()
            else:
                @pl.when(g2 < _NCHUNK // 2 - 1)
                def _():
                    cin_dma(2 * g2 + 2, 0).start()
            @pl.when(g2 > 0)
            def _():
                vout_dma(ch - 2, t).wait()
            cin_t = cins[t]
            vout_t = vouts[t]

            @plsc.parallel_loop(0, _NVEC, unroll=8)
            def vec_body(v):
                o = v * 16
                isv = isrc_v[pl.ds(o, 16)]
                irv = ir_v[pl.ds(o, 16)]
                icv = ic_v[pl.ds(o, 16)]
                for k in range(_RB):
                    ikv = jnp.full((16,), k, jnp.int32)
                    vals = plsc.load_gather(cin_t, [ikv, isv])
                    plsc.store_scatter(vout_t, [ikv, irv, icv], vals)

            vout_dma(ch, t).start()
        return 0

    lax.fori_loop(0, _NCHUNK // 2, pair_body, 0)
    vout_dma(_NCHUNK - 2, 0).wait()
    vout_dma(_NCHUNK - 1, 1).wait()


def _expand(c_tab):
    mesh = plsc.VectorSubcoreMesh(core_axis_name="c", subcore_axis_name="s")
    kern = pl.kernel(
        _expand_kernel,
        out_type=jax.ShapeDtypeStruct((_B, _H, _L, _L), jnp.float32),
        mesh=mesh,
        compiler_params=pltpu.CompilerParams(needs_layout_passes=False),
        scratch_types=[
            pltpu.VMEM((_RB, _CW), jnp.float32),
            pltpu.VMEM((_RB, _CW), jnp.float32),
            pltpu.VMEM((_RB, _L, _L), jnp.float32),
            pltpu.VMEM((_RB, _L, _L), jnp.float32),
            pltpu.VMEM((_NIDX,), jnp.int32),
            pltpu.VMEM((_NIDX,), jnp.int32),
            pltpu.VMEM((_NIDX,), jnp.int32),
            pltpu.SemaphoreType.DMA,
            pltpu.SemaphoreType.DMA,
            pltpu.SemaphoreType.DMA,
            pltpu.SemaphoreType.DMA,
        ],
    )
    zin = jnp.zeros((_RB, _L, _L), jnp.float32)
    return kern(c_tab, zin, jnp.asarray(_ISRC),
                jnp.asarray(_IR), jnp.asarray(_IC))


@jax.jit
def kernel(x):
    x2 = x.reshape(_ROWS, _L)
    c_tab = pl.pallas_call(
        _layers_kernel,
        grid=(_ROWS // _HB,),
        in_specs=[pl.BlockSpec((_HB, _L), lambda j: (j, 0))],
        out_specs=pl.BlockSpec((_HB, _CW), lambda j: (j, 0)),
        out_shape=jax.ShapeDtypeStruct((_ROWS, _CW), x.dtype),
    )(x2)
    ori_h = _expand(c_tab)
    ori_mask = pl.pallas_call(
        _mask_kernel,
        out_shape=jax.ShapeDtypeStruct((_B, 1, _L, _L), x.dtype),
    )()
    return ori_h, ori_mask

# --- scband reference (transcript-rebuilt; emitter-appended) ---
"""Pipeline reference for scband-sparse-prop-max-pool-33638183862771 (READ-ONLY COPY).

The authoritative reference and input builder live on the scoring server;
editing this copy changes nothing except your own understanding.
"""

import jax, jax.numpy as jnp
import numpy as np

NUM_SCALE_LAYERS = [16, 8, 8]

def _layer_specs():
    specs = []
    for scale_idx, num_layer in enumerate(NUM_SCALE_LAYERS):
        first = (1, 1) if scale_idx == 0 else (3, 2)
        specs.append([first] + [(2, 1)] * (num_layer - 1))
    return specs

def _maxpool1d(x, k, s):
    L = x.shape[-1]
    out_len = (L - k) // s + 1
    starts = jnp.arange(out_len) * s
    win = x[..., starts[:, None] + jnp.arange(k)]
    return jnp.max(win, axis=-1)

def _forward(x):
    specs = _layer_specs()
    map_h_list, map_mask_list = [], []
    for scale_layers in specs:
        B, H, L = x.shape
        N = L // scale_layers[0][1]
        map_h = jnp.zeros((B, H, N, N), x.dtype)
        map_mask = jnp.zeros((B, 1, N, N), x.dtype)
        for i, (k, s) in enumerate(scale_layers):
            x = _maxpool1d(x, k, s)
            s_idxs = np.arange(0, N - i)
            e_idxs = s_idxs + i
            map_h = map_h.at[:, :, s_idxs, e_idxs].set(x)
            map_mask = map_mask.at[:, :, s_idxs, e_idxs].set(1.0)
        map_h_list.append(map_h)
        map_mask_list.append(map_mask)
    B, H, ON, _ = map_h_list[0].shape
    ori_h = jnp.zeros((B, H, ON, ON), map_h_list[0].dtype)
    ori_mask = jnp.zeros((B, 1, ON, ON), map_h_list[0].dtype)
    acum = 0
    stride = 1
    for scale_layers, h, m in zip(specs, map_h_list, map_mask_list):
        N = h.shape[-1]
        for i, (k, s) in enumerate(scale_layers):
            stride = stride * s
            s_idxs = np.arange(0, N - i)
            e_idxs = s_idxs + i
            o_s = np.arange(0, ON - acum - i * stride, stride)
            o_e = o_s + acum + i * stride
            ori_h = ori_h.at[:, :, o_s, o_e].set(h[:, :, s_idxs, e_idxs])
            ori_mask = ori_mask.at[:, :, o_s, o_e].set(1.0)
        acum += stride * (len(scale_layers) + 1)
    return (ori_h, ori_mask)

def setup_inputs(seed: int = 0):
    key = jax.random.key(seed)
    x = jax.random.normal(key, (16, 512, 64), dtype=jnp.float32)
    return {"x": x}

def reference(x):
    return _forward(x)

if __name__ == "__main__":
    import jax
    _d = setup_inputs()
    print(jax.jit(kernel)(*tuple(_d.values())))

</pallas_src>

<mosaic_0001>
#map = affine_map<(d0, d1) -> (0, 0)>
#map1 = affine_map<(d0, d1) -> (0, 0, 0)>
#map2 = affine_map<(d0, d1) -> (0)>
#map3 = affine_map<(d0, d1) -> (0, 0, 0, 0)>
module attributes {stable_mosaic.version = 14 : i64} {
  func.func @_expand_kernel(%arg0: i32, %arg1: i32, %arg2: memref<8192x2048xf32, #tpu.memory_space<hbm>>, %arg3: memref<4x64x64xf32, #tpu.memory_space<hbm>>, %arg4: memref<1104xi32, #tpu.memory_space<hbm>>, %arg5: memref<1104xi32, #tpu.memory_space<hbm>>, %arg6: memref<1104xi32, #tpu.memory_space<hbm>>, %arg7: memref<16x512x64x64xf32, #tpu.memory_space<hbm>>, %arg8: memref<4x2048xf32, #tpu.memory_space<vmem>>, %arg9: memref<4x2048xf32, #tpu.memory_space<vmem>>, %arg10: memref<4x64x64xf32, #tpu.memory_space<vmem>>, %arg11: memref<4x64x64xf32, #tpu.memory_space<vmem>>, %arg12: memref<1104xi32, #tpu.memory_space<vmem>>, %arg13: memref<1104xi32, #tpu.memory_space<vmem>>, %arg14: memref<1104xi32, #tpu.memory_space<vmem>>, %arg15: memref<!tpu.dma_semaphore, #tpu.memory_space<semaphore_mem>>, %arg16: memref<!tpu.dma_semaphore, #tpu.memory_space<semaphore_mem>>, %arg17: memref<!tpu.dma_semaphore, #tpu.memory_space<semaphore_mem>>, %arg18: memref<!tpu.dma_semaphore, #tpu.memory_space<semaphore_mem>>) attributes {dimension_semantics = [#tpu.dimension_semantics<core_parallel>, #tpu.dimension_semantics<subcore_parallel>], iteration_bounds = array<i64: 2, 16>, scalar_prefetch = 0 : i64, scratch_operands = 11 : i64, tpu.core_type = #tpu.core_type<sc_vector_subcore>, window_params = [{transform_indices = #map}, {transform_indices = #map1}, {transform_indices = #map2}, {transform_indices = #map2}, {transform_indices = #map2}, {transform_indices = #map3}]} {
    %mul3A = arith.constant 2 : i32
    %mul3A_0 = arith.muli %arg1, %mul3A : i32
    %add3A = arith.addi %mul3A_0, %arg0 : i32
    %mul3A_1 = arith.constant 256 : i32
    %mul3A_2 = arith.muli %add3A, %mul3A_1 : i32
    %jit3A = arith.constant 512 : i32
    %div3A = arith.divsi %mul3A_2, %jit3A : i32
    %sign3A = arith.constant 0 : i32
    %sign3A_3 = arith.cmpi sgt, %mul3A_2, %sign3A : i32
    %sign3A_4 = arith.extui %sign3A_3 : i1 to i32
    %sign3A_5 = arith.constant 0 : i32
    %sign3A_6 = arith.cmpi slt, %mul3A_2, %sign3A_5 : i32
    %sign3A_7 = arith.extui %sign3A_6 : i1 to i32
    %sign3A_8 = arith.subi %sign3A_4, %sign3A_7 : i32
    %sign3A_9 = arith.constant 0 : i32
    %sign3A_10 = arith.cmpi sgt, %jit3A, %sign3A_9 : i32
    %sign3A_11 = arith.extui %sign3A_10 : i1 to i32
    %sign3A_12 = arith.constant 0 : i32
    %sign3A_13 = arith.cmpi slt, %jit3A, %sign3A_12 : i32
    %sign3A_14 = arith.extui %sign3A_13 : i1 to i32
    %sign3A_15 = arith.subi %sign3A_11, %sign3A_14 : i32
    %ne3A = arith.cmpi ne, %sign3A_8, %sign3A_15 : i32
    %rem3A = arith.remsi %mul3A_2, %jit3A : i32
    %ne3A_16 = arith.constant 0 : i32
    %ne3A_17 = arith.cmpi ne, %rem3A, %ne3A_16 : i32
    %and3A = arith.andi %ne3A, %ne3A_17 : i1
    %sub3A = arith.constant 1 : i32
    %sub3A_18 = arith.subi %div3A, %sub3A : i32
    %select_n3A = arith.select %and3A, %sub3A_18, %div3A : i32
    %jit3A_19 = arith.constant 512 : i32
    %eq3A = arith.constant 0 : i32
    %eq3A_20 = arith.cmpi eq, %jit3A_19, %eq3A : i32
    %jit3A_21 = arith.constant 1 : i32
    %select_n3A_22 = arith.select %eq3A_20, %jit3A_21, %jit3A_19 : i32
    %rem3A_23 = arith.remsi %mul3A_2, %select_n3A_22 : i32
    %ne3A_24 = arith.constant 0 : i32
    %ne3A_25 = arith.cmpi ne, %rem3A_23, %ne3A_24 : i32
    %lt3A = arith.constant 0 : i32
    %lt3A_26 = arith.cmpi slt, %rem3A_23, %lt3A : i32
    %lt3A_27 = arith.constant 0 : i32
    %lt3A_28 = arith.cmpi slt, %select_n3A_22, %lt3A_27 : i32
    %ne3A_29 = arith.xori %lt3A_26, %lt3A_28 : i1
    %and3A_30 = arith.andi %ne3A_29, %ne3A_25 : i1
    %add3A_31 = arith.addi %rem3A_23, %select_n3A_22 : i32
    %select_n3A_32 = arith.select %and3A_30, %add3A_31, %rem3A_23 : i32
    "tpu.region"() ({
      %run_scoped3A = tpu.sem_alloc : memref<!tpu.dma_semaphore, #tpu.memory_space<semaphore_mem>>
      tpu.enqueue_dma source(%arg4 : memref<1104xi32, #tpu.memory_space<hbm>>) target(%arg12 : memref<1104xi32, #tpu.memory_space<vmem>>) target_semaphore(%run_scoped3A : memref<!tpu.dma_semaphore, #tpu.memory_space<semaphore_mem>>)
      tpu.wait_dma2 semaphore(%run_scoped3A : memref<!tpu.dma_semaphore, #tpu.memory_space<semaphore_mem>>) src(%arg4 : memref<1104xi32, #tpu.memory_space<hbm>>) dst(%arg12 : memref<1104xi32, #tpu.memory_space<vmem>>)
      tpu.yield
    }) : () -> ()
    "tpu.region"() ({
      %run_scoped3A = tpu.sem_alloc : memref<!tpu.dma_semaphore, #tpu.memory_space<semaphore_mem>>
      tpu.enqueue_dma source(%arg5 : memref<1104xi32, #tpu.memory_space<hbm>>) target(%arg13 : memref<1104xi32, #tpu.memory_space<vmem>>) target_semaphore(%run_scoped3A : memref<!tpu.dma_semaphore, #tpu.memory_space<semaphore_mem>>)
      tpu.wait_dma2 semaphore(%run_scoped3A : memref<!tpu.dma_semaphore, #tpu.memory_space<semaphore_mem>>) src(%arg5 : memref<1104xi32, #tpu.memory_space<hbm>>) dst(%arg13 : memref<1104xi32, #tpu.memory_space<vmem>>)
      tpu.yield
    }) : () -> ()
    "tpu.region"() ({
      %run_scoped3A = tpu.sem_alloc : memref<!tpu.dma_semaphore, #tpu.memory_space<semaphore_mem>>
      tpu.enqueue_dma source(%arg6 : memref<1104xi32, #tpu.memory_space<hbm>>) target(%arg14 : memref<1104xi32, #tpu.memory_space<vmem>>) target_semaphore(%run_scoped3A : memref<!tpu.dma_semaphore, #tpu.memory_space<semaphore_mem>>)
      tpu.wait_dma2 semaphore(%run_scoped3A : memref<!tpu.dma_semaphore, #tpu.memory_space<semaphore_mem>>) src(%arg6 : memref<1104xi32, #tpu.memory_space<hbm>>) dst(%arg14 : memref<1104xi32, #tpu.memory_space<vmem>>)
      tpu.yield
    }) : () -> ()
    "tpu.region"() ({
      %run_scoped3A = tpu.sem_alloc : memref<!tpu.dma_semaphore, #tpu.memory_space<semaphore_mem>>
      tpu.enqueue_dma source(%arg3 : memref<4x64x64xf32, #tpu.memory_space<hbm>>) target(%arg10 : memref<4x64x64xf32, #tpu.memory_space<vmem>>) target_semaphore(%run_scoped3A : memref<!tpu.dma_semaphore, #tpu.memory_space<semaphore_mem>>)
      tpu.wait_dma2 semaphore(%run_scoped3A : memref<!tpu.dma_semaphore, #tpu.memory_space<semaphore_mem>>) src(%arg3 : memref<4x64x64xf32, #tpu.memory_space<hbm>>) dst(%arg10 : memref<4x64x64xf32, #tpu.memory_space<vmem>>)
      tpu.yield
    }) : () -> ()
    "tpu.region"() ({
      %run_scoped3A = tpu.sem_alloc : memref<!tpu.dma_semaphore, #tpu.memory_space<semaphore_mem>>
      tpu.enqueue_dma source(%arg3 : memref<4x64x64xf32, #tpu.memory_space<hbm>>) target(%arg11 : memref<4x64x64xf32, #tpu.memory_space<vmem>>) target_semaphore(%run_scoped3A : memref<!tpu.dma_semaphore, #tpu.memory_space<semaphore_mem>>)
      tpu.wait_dma2 semaphore(%run_scoped3A : memref<!tpu.dma_semaphore, #tpu.memory_space<semaphore_mem>>) src(%arg3 : memref<4x64x64xf32, #tpu.memory_space<hbm>>) dst(%arg11 : memref<4x64x64xf32, #tpu.memory_space<vmem>>)
      tpu.yield
    }) : () -> ()
    %add3A_33 = arith.constant 0 : i32
    %add3A_34 = arith.addi %mul3A_2, %add3A_33 : i32
    %dma_start3A = arith.constant 0 : i32
    %dma_start3A_35 = tpu.memref_slice %arg2[%add3A_34, %dma_start3A] : memref<8192x2048xf32, #tpu.memory_space<hbm>> -> memref<4x2048xf32, #tpu.memory_space<hbm>>
    %dma_start3A_36 = arith.constant 0 : i32
    %dma_start3A_37 = tpu.memref_slice %arg2[%add3A_34, %dma_start3A_36] : memref<8192x2048xf32, #tpu.memory_space<hbm>> -> memref<4x2048xf32, #tpu.memory_space<hbm>>
    tpu.enqueue_dma source(%dma_start3A_37 : memref<4x2048xf32, #tpu.memory_space<hbm>>) target(%arg8 : memref<4x2048xf32, #tpu.memory_space<vmem>>) target_semaphore(%arg15 : memref<!tpu.dma_semaphore, #tpu.memory_space<semaphore_mem>>)
    %scan3A = arith.constant 0 : i32
    %scan3A_38 = arith.constant 0 : i32
    %scan3A_39 = arith.constant 32 : i32
    %scan3A_40 = arith.addi %scan3A_38, %scan3A_39 : i32
    %scan3A_41 = arith.constant 1 : i32
    %scan3A_42 = scf.for %scan3A_63 = %scan3A_38 to %scan3A_40 step %scan3A_41 iter_args(%scan3A_64 = %scan3A) -> (i32)  : i32 {
      %mul3A_65 = arith.constant 2 : i32
      %mul3A_66 = arith.muli %mul3A_65, %scan3A_63 : i32
      %add3A_67 = arith.constant 0 : i32
      %add3A_68 = arith.addi %mul3A_66, %add3A_67 : i32
      %mul3A_69 = arith.constant 4 : i32
      %mul3A_70 = arith.muli %add3A_68, %mul3A_69 : i32
      %add3A_71 = arith.addi %mul3A_2, %mul3A_70 : i32
      %dma_wait3A_72 = arith.constant 0 : i32
      %dma_wait3A_73 = tpu.memref_slice %arg2[%add3A_71, %dma_wait3A_72] : memref<8192x2048xf32, #tpu.memory_space<hbm>> -> memref<4x2048xf32, #tpu.memory_space<hbm>>
      %dma_wait3A_74 = arith.constant 0 : i32
      %dma_wait3A_75 = tpu.memref_slice %arg2[%add3A_71, %dma_wait3A_74] : memref<8192x2048xf32, #tpu.memory_space<hbm>> -> memref<4x2048xf32, #tpu.memory_space<hbm>>
      tpu.wait_dma2 semaphore(%arg15 : memref<!tpu.dma_semaphore, #tpu.memory_space<semaphore_mem>>) src(%dma_wait3A_75 : memref<4x2048xf32, #tpu.memory_space<hbm>>) dst(%arg8 : memref<4x2048xf32, #tpu.memory_space<vmem>>)
      %add3A_76 = arith.constant 1 : i32
      %add3A_77 = arith.addi %add3A_68, %add3A_76 : i32
      %mul3A_78 = arith.constant 4 : i32
      %mul3A_79 = arith.muli %add3A_77, %mul3A_78 : i32
      %add3A_80 = arith.addi %mul3A_2, %mul3A_79 : i32
      %dma_start3A_81 = arith.constant 0 : i32
      %dma_start3A_82 = tpu.memref_slice %arg2[%add3A_80, %dma_start3A_81] : memref<8192x2048xf32, #tpu.memory_space<hbm>> -> memref<4x2048xf32, #tpu.memory_space<hbm>>
      %dma_start3A_83 = arith.constant 0 : i32
      %dma_start3A_84 = tpu.memref_slice %arg2[%add3A_80, %dma_start3A_83] : memref<8192x2048xf32, #tpu.memory_space<hbm>> -> memref<4x2048xf32, #tpu.memory_space<hbm>>
      tpu.enqueue_dma source(%dma_start3A_84 : memref<4x2048xf32, #tpu.memory_space<hbm>>) target(%arg9 : memref<4x2048xf32, #tpu.memory_space<vmem>>) target_semaphore(%arg16 : memref<!tpu.dma_semaphore, #tpu.memory_space<semaphore_mem>>)
      %gt3A = arith.constant 0 : i32
      %gt3A_85 = arith.cmpi sgt, %scan3A_63, %gt3A : i32
      %convert_element_type3A = arith.extui %gt3A_85 : i1 to i32
      %cond3A = arith.constant 0 : i32
      %cond3A_86 = arith.cmpi ne, %convert_element_type3A, %cond3A : i32
      scf.if %cond3A_86 {
        %sub3A_136 = arith.constant 2 : i32
        %sub3A_137 = arith.subi %add3A_68, %sub3A_136 : i32
        %mul3A_138 = arith.constant 4 : i32
        %mul3A_139 = arith.muli %sub3A_137, %mul3A_138 : i32
        %add3A_140 = arith.addi %select_n3A_32, %mul3A_139 : i32
        %dma_wait3A_141 = arith.constant 0 : i32
        %dma_wait3A_142 = arith.constant 0 : i32
        %dma_wait3A_143 = tpu.memref_slice %arg7[%select_n3A, %add3A_140, %dma_wait3A_141, %dma_wait3A_142] : memref<16x512x64x64xf32, #tpu.memory_space<hbm>> -> memref<1x4x64x64xf32, #tpu.memory_space<hbm>>
        %dma_wait3A_144 = tpu.memref_squeeze %dma_wait3A_143 : memref<1x4x64x64xf32, #tpu.memory_space<hbm>> -> memref<4x64x64xf32, #tpu.memory_space<hbm>>
        %dma_wait3A_145 = arith.constant 0 : i32
        %dma_wait3A_146 = arith.constant 0 : i32
        %dma_wait3A_147 = tpu.memref_slice %arg7[%select_n3A, %add3A_140, %dma_wait3A_145, %dma_wait3A_146] : memref<16x512x64x64xf32, #tpu.memory_space<hbm>> -> memref<1x4x64x64xf32, #tpu.memory_space<hbm>>
        %dma_wait3A_148 = tpu.memref_squeeze %dma_wait3A_147 : memref<1x4x64x64xf32, #tpu.memory_space<hbm>> -> memref<4x64x64xf32, #tpu.memory_space<hbm>>
        tpu.wait_dma2 semaphore(%arg17 : memref<!tpu.dma_semaphore, #tpu.memory_space<semaphore_mem>>) src(%arg10 : memref<4x64x64xf32, #tpu.memory_space<vmem>>) dst(%dma_wait3A_148 : memref<4x64x64xf32, #tpu.memory_space<hbm>>)
      } else {
      }
      %parallel_loop3A = arith.constant 0 : i32
      %parallel_loop3A_87 = arith.constant 69 : i32
      %parallel_loop3A_88 = arith.constant 1 : i32
      scf.for %parallel_loop3A_136 = %parallel_loop3A to %parallel_loop3A_87 step %parallel_loop3A_88  : i32 {
        %parallel_loop3A_137 = arith.constant 16 : i32
        %parallel_loop3A_138 = arith.muli %parallel_loop3A_136, %parallel_loop3A_137 : i32
        %parallel_loop3A_139 = arith.index_cast %parallel_loop3A_138 : i32 to index
        %parallel_loop3A_140 = tpu.vector_load %arg12[%parallel_loop3A_139] {strides = array<i32>} : memref<1104xi32, #tpu.memory_space<vmem>>, vector<16xi32>,
        %parallel_loop3A_141 = arith.index_cast %parallel_loop3A_138 : i32 to index
        %parallel_loop3A_142 = tpu.vector_load %arg13[%parallel_loop3A_141] {strides = array<i32>} : memref<1104xi32, #tpu.memory_space<vmem>>, vector<16xi32>,
        %parallel_loop3A_143 = arith.index_cast %parallel_loop3A_138 : i32 to index
        %parallel_loop3A_144 = tpu.vector_load %arg14[%parallel_loop3A_143] {strides = array<i32>} : memref<1104xi32, #tpu.memory_space<vmem>>, vector<16xi32>,
        %parallel_loop3A_145 = arith.constant 0 : i32
        %parallel_loop3A_146 = vector.broadcast %parallel_loop3A_145 : i32 to vector<16xi32>
        %parallel_loop3A_147 = tpu.vector_load_idx %arg8[%parallel_loop3A_146, %parallel_loop3A_140] : memref<4x2048xf32, #tpu.memory_space<vmem>>[vector<16xi32>, vector<16xi32>], vector<16xf32>,
        tpu.vector_store_idx %arg10[%parallel_loop3A_146, %parallel_loop3A_142, %parallel_loop3A_144], %parallel_loop3A_147 : memref<4x64x64xf32, #tpu.memory_space<vmem>>[vector<16xi32>, vector<16xi32>, vector<16xi32>], vector<16xf32>,
        %parallel_loop3A_148 = arith.constant 1 : i32
        %parallel_loop3A_149 = vector.broadcast %parallel_loop3A_148 : i32 to vector<16xi32>
        %parallel_loop3A_150 = tpu.vector_load_idx %arg8[%parallel_loop3A_149, %parallel_loop3A_140] : memref<4x2048xf32, #tpu.memory_space<vmem>>[vector<16xi32>, vector<16xi32>], vector<16xf32>,
        tpu.vector_store_idx %arg10[%parallel_loop3A_149, %parallel_loop3A_142, %parallel_loop3A_144], %parallel_loop3A_150 : memref<4x64x64xf32, #tpu.memory_space<vmem>>[vector<16xi32>, vector<16xi32>, vector<16xi32>], vector<16xf32>,
        %parallel_loop3A_151 = arith.constant 2 : i32
        %parallel_loop3A_152 = vector.broadcast %parallel_loop3A_151 : i32 to vector<16xi32>
        %parallel_loop3A_153 = tpu.vector_load_idx %arg8[%parallel_loop3A_152, %parallel_loop3A_140] : memref<4x2048xf32, #tpu.memory_space<vmem>>[vector<16xi32>, vector<16xi32>], vector<16xf32>,
        tpu.vector_store_idx %arg10[%parallel_loop3A_152, %parallel_loop3A_142, %parallel_loop3A_144], %parallel_loop3A_153 : memref<4x64x64xf32, #tpu.memory_space<vmem>>[vector<16xi32>, vector<16xi32>, vector<16xi32>], vector<16xf32>,
        %parallel_loop3A_154 = arith.constant 3 : i32
        %parallel_loop3A_155 = vector.broadcast %parallel_loop3A_154 : i32 to vector<16xi32>
        %parallel_loop3A_156 = tpu.vector_load_idx %arg8[%parallel_loop3A_155, %parallel_loop3A_140] : memref<4x2048xf32, #tpu.memory_space<vmem>>[vector<16xi32>, vector<16xi32>], vector<16xf32>,
        tpu.vector_store_idx %arg10[%parallel_loop3A_155, %parallel_loop3A_142, %parallel_loop3A_144], %parallel_loop3A_156 : memref<4x64x64xf32, #tpu.memory_space<vmem>>[vector<16xi32>, vector<16xi32>, vector<16xi32>], vector<16xf32>,
      } {sc.loop_unroll_factor = 8 : i64, sc.parallel_access}
      %mul3A_89 = arith.constant 4 : i32
      %mul3A_90 = arith.muli %add3A_68, %mul3A_89 : i32
      %add3A_91 = arith.addi %select_n3A_32, %mul3A_90 : i32
      %dma_start3A_92 = arith.constant 0 : i32
      %dma_start3A_93 = arith.constant 0 : i32
      %dma_start3A_94 = tpu.memref_slice %arg7[%select_n3A, %add3A_91, %dma_start3A_92, %dma_start3A_93] : memref<16x512x64x64xf32, #tpu.memory_space<hbm>> -> memref<1x4x64x64xf32, #tpu.memory_space<hbm>>
      %dma_start3A_95 = tpu.memref_squeeze %dma_start3A_94 : memref<1x4x64x64xf32, #tpu.memory_space<hbm>> -> memref<4x64x64xf32, #tpu.memory_space<hbm>>
      %dma_start3A_96 = arith.constant 0 : i32
      %dma_start3A_97 = arith.constant 0 : i32
      %dma_start3A_98 = tpu.memref_slice %arg7[%select_n3A, %add3A_91, %dma_start3A_96, %dma_start3A_97] : memref<16x512x64x64xf32, #tpu.memory_space<hbm>> -> memref<1x4x64x64xf32, #tpu.memory_space<hbm>>
      %dma_start3A_99 = tpu.memref_squeeze %dma_start3A_98 : memref<1x4x64x64xf32, #tpu.memory_space<hbm>> -> memref<4x64x64xf32, #tpu.memory_space<hbm>>
      tpu.enqueue_dma source(%arg10 : memref<4x64x64xf32, #tpu.memory_space<vmem>>) target(%dma_start3A_99 : memref<4x64x64xf32, #tpu.memory_space<hbm>>) target_semaphore(%arg17 : memref<!tpu.dma_semaphore, #tpu.memory_space<semaphore_mem>>)
      %mul3A_100 = arith.constant 2 : i32
      %mul3A_101 = arith.muli %mul3A_100, %scan3A_63 : i32
      %add3A_102 = arith.constant 1 : i32
      %add3A_103 = arith.addi %mul3A_101, %add3A_102 : i32
      %mul3A_104 = arith.constant 4 : i32
      %mul3A_105 = arith.muli %add3A_103, %mul3A_104 : i32
      %add3A_106 = arith.addi %mul3A_2, %mul3A_105 : i32
      %dma_wait3A_107 = arith.constant 0 : i32
      %dma_wait3A_108 = tpu.memref_slice %arg2[%add3A_106, %dma_wait3A_107] : memref<8192x2048xf32, #tpu.memory_space<hbm>> -> memref<4x2048xf32, #tpu.memory_space<hbm>>
      %dma_wait3A_109 = arith.constant 0 : i32
      %dma_wait3A_110 = tpu.memref_slice %arg2[%add3A_106, %dma_wait3A_109] : memref<8192x2048xf32, #tpu.memory_space<hbm>> -> memref<4x2048xf32, #tpu.memory_space<hbm>>
      tpu.wait_dma2 semaphore(%arg16 : memref<!tpu.dma_semaphore, #tpu.memory_space<semaphore_mem>>) src(%dma_wait3A_110 : memref<4x2048xf32, #tpu.memory_space<hbm>>) dst(%arg9 : memref<4x2048xf32, #tpu.memory_space<vmem>>)
      %lt3A_111 = arith.constant 31 : i32
      %lt3A_112 = arith.cmpi slt, %scan3A_63, %lt3A_111 : i32
      %convert_element_type3A_113 = arith.extui %lt3A_112 : i1 to i32
      %cond3A_114 = arith.constant 0 : i32
      %cond3A_115 = arith.cmpi ne, %convert_element_type3A_113, %cond3A_114 : i32
      scf.if %cond3A_115 {
        %mul3A_136 = arith.constant 2 : i32
        %mul3A_137 = arith.muli %mul3A_136, %scan3A_63 : i32
        %add3A_138 = arith.constant 2 : i32
        %add3A_139 = arith.addi %mul3A_137, %add3A_138 : i32
        %mul3A_140 = arith.constant 4 : i32
        %mul3A_141 = arith.muli %add3A_139, %mul3A_140 : i32
        %add3A_142 = arith.addi %mul3A_2, %mul3A_141 : i32
        %dma_start3A_143 = arith.constant 0 : i32
        %dma_start3A_144 = tpu.memref_slice %arg2[%add3A_142, %dma_start3A_143] : memref<8192x2048xf32, #tpu.memory_space<hbm>> -> memref<4x2048xf32, #tpu.memory_space<hbm>>
        %dma_start3A_145 = arith.constant 0 : i32
        %dma_start3A_146 = tpu.memref_slice %arg2[%add3A_142, %dma_start3A_145] : memref<8192x2048xf32, #tpu.memory_space<hbm>> -> memref<4x2048xf32, #tpu.memory_space<hbm>>
        tpu.enqueue_dma source(%dma_start3A_146 : memref<4x2048xf32, #tpu.memory_space<hbm>>) target(%arg8 : memref<4x2048xf32, #tpu.memory_space<vmem>>) target_semaphore(%arg15 : memref<!tpu.dma_semaphore, #tpu.memory_space<semaphore_mem>>)
      } else {
      }
      %gt3A_116 = arith.constant 0 : i32
      %gt3A_117 = arith.cmpi sgt, %scan3A_63, %gt3A_116 : i32
      %convert_element_type3A_118 = arith.extui %gt3A_117 : i1 to i32
      %cond3A_119 = arith.constant 0 : i32
      %cond3A_120 = arith.cmpi ne, %convert_element_type3A_118, %cond3A_119 : i32
      scf.if %cond3A_120 {
        %sub3A_136 = arith.constant 2 : i32
        %sub3A_137 = arith.subi %add3A_103, %sub3A_136 : i32
        %mul3A_138 = arith.constant 4 : i32
        %mul3A_139 = arith.muli %sub3A_137, %mul3A_138 : i32
        %add3A_140 = arith.addi %select_n3A_32, %mul3A_139 : i32
        %dma_wait3A_141 = arith.constant 0 : i32
        %dma_wait3A_142 = arith.constant 0 : i32
        %dma_wait3A_143 = tpu.memref_slice %arg7[%select_n3A, %add3A_140, %dma_wait3A_141, %dma_wait3A_142] : memref<16x512x64x64xf32, #tpu.memory_space<hbm>> -> memref<1x4x64x64xf32, #tpu.memory_space<hbm>>
        %dma_wait3A_144 = tpu.memref_squeeze %dma_wait3A_143 : memref<1x4x64x64xf32, #tpu.memory_space<hbm>> -> memref<4x64x64xf32, #tpu.memory_space<hbm>>
        %dma_wait3A_145 = arith.constant 0 : i32
        %dma_wait3A_146 = arith.constant 0 : i32
        %dma_wait3A_147 = tpu.memref_slice %arg7[%select_n3A, %add3A_140, %dma_wait3A_145, %dma_wait3A_146] : memref<16x512x64x64xf32, #tpu.memory_space<hbm>> -> memref<1x4x64x64xf32, #tpu.memory_space<hbm>>
        %dma_wait3A_148 = tpu.memref_squeeze %dma_wait3A_147 : memref<1x4x64x64xf32, #tpu.memory_space<hbm>> -> memref<4x64x64xf32, #tpu.memory_space<hbm>>
        tpu.wait_dma2 semaphore(%arg18 : memref<!tpu.dma_semaphore, #tpu.memory_space<semaphore_mem>>) src(%arg11 : memref<4x64x64xf32, #tpu.memory_space<vmem>>) dst(%dma_wait3A_148 : memref<4x64x64xf32, #tpu.memory_space<hbm>>)
      } else {
      }
      %parallel_loop3A_121 = arith.constant 0 : i32
      %parallel_loop3A_122 = arith.constant 69 : i32
      %parallel_loop3A_123 = arith.constant 1 : i32
      scf.for %parallel_loop3A_136 = %parallel_loop3A_121 to %parallel_loop3A_122 step %parallel_loop3A_123  : i32 {
        %parallel_loop3A_137 = arith.constant 16 : i32
        %parallel_loop3A_138 = arith.muli %parallel_loop3A_136, %parallel_loop3A_137 : i32
        %parallel_loop3A_139 = arith.index_cast %parallel_loop3A_138 : i32 to index
        %parallel_loop3A_140 = tpu.vector_load %arg12[%parallel_loop3A_139] {strides = array<i32>} : memref<1104xi32, #tpu.memory_space<vmem>>, vector<16xi32>,
        %parallel_loop3A_141 = arith.index_cast %parallel_loop3A_138 : i32 to index
        %parallel_loop3A_142 = tpu.vector_load %arg13[%parallel_loop3A_141] {strides = array<i32>} : memref<1104xi32, #tpu.memory_space<vmem>>, vector<16xi32>,
        %parallel_loop3A_143 = arith.index_cast %parallel_loop3A_138 : i32 to index
        %parallel_loop3A_144 = tpu.vector_load %arg14[%parallel_loop3A_143] {strides = array<i32>} : memref<1104xi32, #tpu.memory_space<vmem>>, vector<16xi32>,
        %parallel_loop3A_145 = arith.constant 0 : i32
        %parallel_loop3A_146 = vector.broadcast %parallel_loop3A_145 : i32 to vector<16xi32>
        %parallel_loop3A_147 = tpu.vector_load_idx %arg9[%parallel_loop3A_146, %parallel_loop3A_140] : memref<4x2048xf32, #tpu.memory_space<vmem>>[vector<16xi32>, vector<16xi32>], vector<16xf32>,
        tpu.vector_store_idx %arg11[%parallel_loop3A_146, %parallel_loop3A_142, %parallel_loop3A_144], %parallel_loop3A_147 : memref<4x64x64xf32, #tpu.memory_space<vmem>>[vector<16xi32>, vector<16xi32>, vector<16xi32>], vector<16xf32>,
        %parallel_loop3A_148 = arith.constant 1 : i32
        %parallel_loop3A_149 = vector.broadcast %parallel_loop3A_148 : i32 to vector<16xi32>
        %parallel_loop3A_150 = tpu.vector_load_idx %arg9[%parallel_loop3A_149, %parallel_loop3A_140] : memref<4x2048xf32, #tpu.memory_space<vmem>>[vector<16xi32>, vector<16xi32>], vector<16xf32>,
        tpu.vector_store_idx %arg11[%parallel_loop3A_149, %parallel_loop3A_142, %parallel_loop3A_144], %parallel_loop3A_150 : memref<4x64x64xf32, #tpu.memory_space<vmem>>[vector<16xi32>, vector<16xi32>, vector<16xi32>], vector<16xf32>,
        %parallel_loop3A_151 = arith.constant 2 : i32
        %parallel_loop3A_152 = vector.broadcast %parallel_loop3A_151 : i32 to vector<16xi32>
        %parallel_loop3A_153 = tpu.vector_load_idx %arg9[%parallel_loop3A_152, %parallel_loop3A_140] : memref<4x2048xf32, #tpu.memory_space<vmem>>[vector<16xi32>, vector<16xi32>], vector<16xf32>,
        tpu.vector_store_idx %arg11[%parallel_loop3A_152, %parallel_loop3A_142, %parallel_loop3A_144], %parallel_loop3A_153 : memref<4x64x64xf32, #tpu.memory_space<vmem>>[vector<16xi32>, vector<16xi32>, vector<16xi32>], vector<16xf32>,
        %parallel_loop3A_154 = arith.constant 3 : i32
        %parallel_loop3A_155 = vector.broadcast %parallel_loop3A_154 : i32 to vector<16xi32>
        %parallel_loop3A_156 = tpu.vector_load_idx %arg9[%parallel_loop3A_155, %parallel_loop3A_140] : memref<4x2048xf32, #tpu.memory_space<vmem>>[vector<16xi32>, vector<16xi32>], vector<16xf32>,
        tpu.vector_store_idx %arg11[%parallel_loop3A_155, %parallel_loop3A_142, %parallel_loop3A_144], %parallel_loop3A_156 : memref<4x64x64xf32, #tpu.memory_space<vmem>>[vector<16xi32>, vector<16xi32>, vector<16xi32>], vector<16xf32>,
      } {sc.loop_unroll_factor = 8 : i64, sc.parallel_access}
      %mul3A_124 = arith.constant 4 : i32
      %mul3A_125 = arith.muli %add3A_103, %mul3A_124 : i32
      %add3A_126 = arith.addi %select_n3A_32, %mul3A_125 : i32
      %dma_start3A_127 = arith.constant 0 : i32
      %dma_start3A_128 = arith.constant 0 : i32
      %dma_start3A_129 = tpu.memref_slice %arg7[%select_n3A, %add3A_126, %dma_start3A_127, %dma_start3A_128] : memref<16x512x64x64xf32, #tpu.memory_space<hbm>> -> memref<1x4x64x64xf32, #tpu.memory_space<hbm>>
      %dma_start3A_130 = tpu.memref_squeeze %dma_start3A_129 : memref<1x4x64x64xf32, #tpu.memory_space<hbm>> -> memref<4x64x64xf32, #tpu.memory_space<hbm>>
      %dma_start3A_131 = arith.constant 0 : i32
      %dma_start3A_132 = arith.constant 0 : i32
      %dma_start3A_133 = tpu.memref_slice %arg7[%select_n3A, %add3A_126, %dma_start3A_131, %dma_start3A_132] : memref<16x512x64x64xf32, #tpu.memory_space<hbm>> -> memref<1x4x64x64xf32, #tpu.memory_space<hbm>>
      %dma_start3A_134 = tpu.memref_squeeze %dma_start3A_133 : memref<1x4x64x64xf32, #tpu.memory_space<hbm>> -> memref<4x64x64xf32, #tpu.memory_space<hbm>>
      tpu.enqueue_dma source(%arg11 : memref<4x64x64xf32, #tpu.memory_space<vmem>>) target(%dma_start3A_134 : memref<4x64x64xf32, #tpu.memory_space<hbm>>) target_semaphore(%arg18 : memref<!tpu.dma_semaphore, #tpu.memory_space<semaphore_mem>>)
      %scan3A_135 = arith.constant 0 : i32
      scf.yield %scan3A_135 : i32
    }
    %scan3A_43 = arith.constant 32 : i32
    %add3A_44 = arith.constant 248 : i32
    %add3A_45 = arith.addi %select_n3A_32, %add3A_44 : i32
    %dma_wait3A = arith.constant 0 : i32
    %dma_wait3A_46 = arith.constant 0 : i32
    %dma_wait3A_47 = tpu.memref_slice %arg7[%select_n3A, %add3A_45, %dma_wait3A, %dma_wait3A_46] : memref<16x512x64x64xf32, #tpu.memory_space<hbm>> -> memref<1x4x64x64xf32, #tpu.memory_space<hbm>>
    %dma_wait3A_48 = tpu.memref_squeeze %dma_wait3A_47 : memref<1x4x64x64xf32, #tpu.memory_space<hbm>> -> memref<4x64x64xf32, #tpu.memory_space<hbm>>
    %dma_wait3A_49 = arith.constant 0 : i32
    %dma_wait3A_50 = arith.constant 0 : i32
    %dma_wait3A_51 = tpu.memref_slice %arg7[%select_n3A, %add3A_45, %dma_wait3A_49, %dma_wait3A_50] : memref<16x512x64x64xf32, #tpu.memory_space<hbm>> -> memref<1x4x64x64xf32, #tpu.memory_space<hbm>>
    %dma_wait3A_52 = tpu.memref_squeeze %dma_wait3A_51 : memref<1x4x64x64xf32, #tpu.memory_space<hbm>> -> memref<4x64x64xf32, #tpu.memory_space<hbm>>
    tpu.wait_dma2 semaphore(%arg17 : memref<!tpu.dma_semaphore, #tpu.memory_space<semaphore_mem>>) src(%arg10 : memref<4x64x64xf32, #tpu.memory_space<vmem>>) dst(%dma_wait3A_52 : memref<4x64x64xf32, #tpu.memory_space<hbm>>)
    %add3A_53 = arith.constant 252 : i32
    %add3A_54 = arith.addi %select_n3A_32, %add3A_53 : i32
    %dma_wait3A_55 = arith.constant 0 : i32
    %dma_wait3A_56 = arith.constant 0 : i32
    %dma_wait3A_57 = tpu.memref_slice %arg7[%select_n3A, %add3A_54, %dma_wait3A_55, %dma_wait3A_56] : memref<16x512x64x64xf32, #tpu.memory_space<hbm>> -> memref<1x4x64x64xf32, #tpu.memory_space<hbm>>
    %dma_wait3A_58 = tpu.memref_squeeze %dma_wait3A_57 : memref<1x4x64x64xf32, #tpu.memory_space<hbm>> -> memref<4x64x64xf32, #tpu.memory_space<hbm>>
    %dma_wait3A_59 = arith.constant 0 : i32
    %dma_wait3A_60 = arith.constant 0 : i32
    %dma_wait3A_61 = tpu.memref_slice %arg7[%select_n3A, %add3A_54, %dma_wait3A_59, %dma_wait3A_60] : memref<16x512x64x64xf32, #tpu.memory_space<hbm>> -> memref<1x4x64x64xf32, #tpu.memory_space<hbm>>
    %dma_wait3A_62 = tpu.memref_squeeze %dma_wait3A_61 : memref<1x4x64x64xf32, #tpu.memory_space<hbm>> -> memref<4x64x64xf32, #tpu.memory_space<hbm>>
    tpu.wait_dma2 semaphore(%arg18 : memref<!tpu.dma_semaphore, #tpu.memory_space<semaphore_mem>>) src(%arg11 : memref<4x64x64xf32, #tpu.memory_space<vmem>>) dst(%dma_wait3A_62 : memref<4x64x64xf32, #tpu.memory_space<hbm>>)
    return
  }
}

module attributes {stable_mosaic.version = 14 : i64} {
  func.func @_layers_kernel(%arg0: i32, %arg1: memref<256x64xf32, #tpu.memory_space<vmem>>, %arg2: memref<256x2048xf32, #tpu.memory_space<vmem>>) attributes {dimension_semantics = [#tpu.dimension_semantics<arbitrary>], iteration_bounds = array<i64: 32>, scalar_prefetch = 0 : i64, scratch_operands = 0 : i64, tpu.core_type = #tpu.core_type<tc>, window_params = [{transform_indices = @transform_0, window_bounds = array<i64: 256, 64>}, {transform_indices = @transform_1, window_bounds = array<i64: 256, 2048>}]} {
    %get3A = arith.constant 0 : index
    %get3A_0 = arith.constant 0 : index
    %get3A_1 = vector.load %arg1[%get3A, %get3A_0] : memref<256x64xf32, #tpu.memory_space<vmem>>, vector<256x64xf32>
    %slice3A = vector.extract_strided_slice %get3A_1 {offsets = [0, 1], sizes = [256, 63], strides = [1, 1]} : vector<256x64xf32> to vector<256x63xf32>
    %slice3A_2 = vector.extract_strided_slice %get3A_1 {offsets = [0, 0], sizes = [256, 1], strides = [1, 1]} : vector<256x64xf32> to vector<256x1xf32>
    %concatenate3A = tpu.concatenate %slice3A, %slice3A_2 in 1 : vector<256x63xf32>, vector<256x1xf32> -> vector<256x64xf32>
    %max3A = arith.maximumf %get3A_1, %concatenate3A : vector<256x64xf32>
    %slice3A_3 = vector.extract_strided_slice %max3A {offsets = [0, 1], sizes = [256, 63], strides = [1, 1]} : vector<256x64xf32> to vector<256x63xf32>
    %slice3A_4 = vector.extract_strided_slice %max3A {offsets = [0, 0], sizes = [256, 1], strides = [1, 1]} : vector<256x64xf32> to vector<256x1xf32>
    %concatenate3A_5 = tpu.concatenate %slice3A_3, %slice3A_4 in 1 : vector<256x63xf32>, vector<256x1xf32> -> vector<256x64xf32>
    %max3A_6 = arith.maximumf %max3A, %concatenate3A_5 : vector<256x64xf32>
    %slice3A_7 = vector.extract_strided_slice %max3A_6 {offsets = [0, 1], sizes = [256, 63], strides = [1, 1]} : vector<256x64xf32> to vector<256x63xf32>
    %slice3A_8 = vector.extract_strided_slice %max3A_6 {offsets = [0, 0], sizes = [256, 1], strides = [1, 1]} : vector<256x64xf32> to vector<256x1xf32>
    %concatenate3A_9 = tpu.concatenate %slice3A_7, %slice3A_8 in 1 : vector<256x63xf32>, vector<256x1xf32> -> vector<256x64xf32>
    %max3A_10 = arith.maximumf %max3A_6, %concatenate3A_9 : vector<256x64xf32>
    %slice3A_11 = vector.extract_strided_slice %max3A_10 {offsets = [0, 1], sizes = [256, 63], strides = [1, 1]} : vector<256x64xf32> to vector<256x63xf32>
    %slice3A_12 = vector.extract_strided_slice %max3A_10 {offsets = [0, 0], sizes = [256, 1], strides = [1, 1]} : vector<256x64xf32> to vector<256x1xf32>
    %concatenate3A_13 = tpu.concatenate %slice3A_11, %slice3A_12 in 1 : vector<256x63xf32>, vector<256x1xf32> -> vector<256x64xf32>
    %max3A_14 = arith.maximumf %max3A_10, %concatenate3A_13 : vector<256x64xf32>
    %slice3A_15 = vector.extract_strided_slice %max3A_14 {offsets = [0, 1], sizes = [256, 63], strides = [1, 1]} : vector<256x64xf32> to vector<256x63xf32>
    %slice3A_16 = vector.extract_strided_slice %max3A_14 {offsets = [0, 0], sizes = [256, 1], strides = [1, 1]} : vector<256x64xf32> to vector<256x1xf32>
    %concatenate3A_17 = tpu.concatenate %slice3A_15, %slice3A_16 in 1 : vector<256x63xf32>, vector<256x1xf32> -> vector<256x64xf32>
    %max3A_18 = arith.maximumf %max3A_14, %concatenate3A_17 : vector<256x64xf32>
    %slice3A_19 = vector.extract_strided_slice %max3A_18 {offsets = [0, 1], sizes = [256, 63], strides = [1, 1]} : vector<256x64xf32> to vector<256x63xf32>
    %slice3A_20 = vector.extract_strided_slice %max3A_18 {offsets = [0, 0], sizes = [256, 1], strides = [1, 1]} : vector<256x64xf32> to vector<256x1xf32>
    %concatenate3A_21 = tpu.concatenate %slice3A_19, %slice3A_20 in 1 : vector<256x63xf32>, vector<256x1xf32> -> vector<256x64xf32>
    %max3A_22 = arith.maximumf %max3A_18, %concatenate3A_21 : vector<256x64xf32>
    %slice3A_23 = vector.extract_strided_slice %max3A_22 {offsets = [0, 1], sizes = [256, 63], strides = [1, 1]} : vector<256x64xf32> to vector<256x63xf32>
    %slice3A_24 = vector.extract_strided_slice %max3A_22 {offsets = [0, 0], sizes = [256, 1], strides = [1, 1]} : vector<256x64xf32> to vector<256x1xf32>
    %concatenate3A_25 = tpu.concatenate %slice3A_23, %slice3A_24 in 1 : vector<256x63xf32>, vector<256x1xf32> -> vector<256x64xf32>
    %max3A_26 = arith.maximumf %max3A_22, %concatenate3A_25 : vector<256x64xf32>
    %slice3A_27 = vector.extract_strided_slice %max3A_26 {offsets = [0, 1], sizes = [256, 63], strides = [1, 1]} : vector<256x64xf32> to vector<256x63xf32>
    %slice3A_28 = vector.extract_strided_slice %max3A_26 {offsets = [0, 0], sizes = [256, 1], strides = [1, 1]} : vector<256x64xf32> to vector<256x1xf32>
    %concatenate3A_29 = tpu.concatenate %slice3A_27, %slice3A_28 in 1 : vector<256x63xf32>, vector<256x1xf32> -> vector<256x64xf32>
    %max3A_30 = arith.maximumf %max3A_26, %concatenate3A_29 : vector<256x64xf32>
    %slice3A_31 = vector.extract_strided_slice %max3A_30 {offsets = [0, 1], sizes = [256, 63], strides = [1, 1]} : vector<256x64xf32> to vector<256x63xf32>
    %slice3A_32 = vector.extract_strided_slice %max3A_30 {offsets = [0, 0], sizes = [256, 1], strides = [1, 1]} : vector<256x64xf32> to vector<256x1xf32>
    %concatenate3A_33 = tpu.concatenate %slice3A_31, %slice3A_32 in 1 : vector<256x63xf32>, vector<256x1xf32> -> vector<256x64xf32>
    %max3A_34 = arith.maximumf %max3A_30, %concatenate3A_33 : vector<256x64xf32>
    %slice3A_35 = vector.extract_strided_slice %max3A_34 {offsets = [0, 1], sizes = [256, 63], strides = [1, 1]} : vector<256x64xf32> to vector<256x63xf32>
    %slice3A_36 = vector.extract_strided_slice %max3A_34 {offsets = [0, 0], sizes = [256, 1], strides = [1, 1]} : vector<256x64xf32> to vector<256x1xf32>
    %concatenate3A_37 = tpu.concatenate %slice3A_35, %slice3A_36 in 1 : vector<256x63xf32>, vector<256x1xf32> -> vector<256x64xf32>
    %max3A_38 = arith.maximumf %max3A_34, %concatenate3A_37 : vector<256x64xf32>
    %slice3A_39 = vector.extract_strided_slice %max3A_38 {offsets = [0, 1], sizes = [256, 63], strides = [1, 1]} : vector<256x64xf32> to vector<256x63xf32>
    %slice3A_40 = vector.extract_strided_slice %max3A_38 {offsets = [0, 0], sizes = [256, 1], strides = [1, 1]} : vector<256x64xf32> to vector<256x1xf32>
    %concatenate3A_41 = tpu.concatenate %slice3A_39, %slice3A_40 in 1 : vector<256x63xf32>, vector<256x1xf32> -> vector<256x64xf32>
    %max3A_42 = arith.maximumf %max3A_38, %concatenate3A_41 : vector<256x64xf32>
    %slice3A_43 = vector.extract_strided_slice %max3A_42 {offsets = [0, 1], sizes = [256, 63], strides = [1, 1]} : vector<256x64xf32> to vector<256x63xf32>
    %slice3A_44 = vector.extract_strided_slice %max3A_42 {offsets = [0, 0], sizes = [256, 1], strides = [1, 1]} : vector<256x64xf32> to vector<256x1xf32>
    %concatenate3A_45 = tpu.concatenate %slice3A_43, %slice3A_44 in 1 : vector<256x63xf32>, vector<256x1xf32> -> vector<256x64xf32>
    %max3A_46 = arith.maximumf %max3A_42, %concatenate3A_45 : vector<256x64xf32>
    %slice3A_47 = vector.extract_strided_slice %max3A_46 {offsets = [0, 1], sizes = [256, 63], strides = [1, 1]} : vector<256x64xf32> to vector<256x63xf32>
    %slice3A_48 = vector.extract_strided_slice %max3A_46 {offsets = [0, 0], sizes = [256, 1], strides = [1, 1]} : vector<256x64xf32> to vector<256x1xf32>
    %concatenate3A_49 = tpu.concatenate %slice3A_47, %slice3A_48 in 1 : vector<256x63xf32>, vector<256x1xf32> -> vector<256x64xf32>
    %max3A_50 = arith.maximumf %max3A_46, %concatenate3A_49 : vector<256x64xf32>
    %slice3A_51 = vector.extract_strided_slice %max3A_50 {offsets = [0, 1], sizes = [256, 63], strides = [1, 1]} : vector<256x64xf32> to vector<256x63xf32>
    %slice3A_52 = vector.extract_strided_slice %max3A_50 {offsets = [0, 0], sizes = [256, 1], strides = [1, 1]} : vector<256x64xf32> to vector<256x1xf32>
    %concatenate3A_53 = tpu.concatenate %slice3A_51, %slice3A_52 in 1 : vector<256x63xf32>, vector<256x1xf32> -> vector<256x64xf32>
    %max3A_54 = arith.maximumf %max3A_50, %concatenate3A_53 : vector<256x64xf32>
    %slice3A_55 = vector.extract_strided_slice %max3A_54 {offsets = [0, 1], sizes = [256, 63], strides = [1, 1]} : vector<256x64xf32> to vector<256x63xf32>
    %slice3A_56 = vector.extract_strided_slice %max3A_54 {offsets = [0, 0], sizes = [256, 1], strides = [1, 1]} : vector<256x64xf32> to vector<256x1xf32>
    %concatenate3A_57 = tpu.concatenate %slice3A_55, %slice3A_56 in 1 : vector<256x63xf32>, vector<256x1xf32> -> vector<256x64xf32>
    %max3A_58 = arith.maximumf %max3A_54, %concatenate3A_57 : vector<256x64xf32>
    %slice3A_59 = vector.extract_strided_slice %max3A_58 {offsets = [0, 2], sizes = [256, 62], strides = [1, 1]} : vector<256x64xf32> to vector<256x62xf32>
    %slice3A_60 = vector.extract_strided_slice %max3A_58 {offsets = [0, 0], sizes = [256, 2], strides = [1, 1]} : vector<256x64xf32> to vector<256x2xf32>
    %concatenate3A_61 = tpu.concatenate %slice3A_59, %slice3A_60 in 1 : vector<256x62xf32>, vector<256x2xf32> -> vector<256x64xf32>
    %max3A_62 = arith.maximumf %max3A_58, %concatenate3A_61 : vector<256x64xf32>
    %slice3A_63 = vector.extract_strided_slice %max3A_58 {offsets = [0, 4], sizes = [256, 60], strides = [1, 1]} : vector<256x64xf32> to vector<256x60xf32>
    %slice3A_64 = vector.extract_strided_slice %max3A_58 {offsets = [0, 0], sizes = [256, 4], strides = [1, 1]} : vector<256x64xf32> to vector<256x4xf32>
    %concatenate3A_65 = tpu.concatenate %slice3A_63, %slice3A_64 in 1 : vector<256x60xf32>, vector<256x4xf32> -> vector<256x64xf32>
    %max3A_66 = arith.maximumf %max3A_58, %concatenate3A_65 : vector<256x64xf32>
    %slice3A_67 = vector.extract_strided_slice %max3A_58 {offsets = [0, 6], sizes = [256, 58], strides = [1, 1]} : vector<256x64xf32> to vector<256x58xf32>
    %slice3A_68 = vector.extract_strided_slice %max3A_58 {offsets = [0, 0], sizes = [256, 6], strides = [1, 1]} : vector<256x64xf32> to vector<256x6xf32>
    %concatenate3A_69 = tpu.concatenate %slice3A_67, %slice3A_68 in 1 : vector<256x58xf32>, vector<256x6xf32> -> vector<256x64xf32>
    %max3A_70 = arith.maximumf %max3A_58, %concatenate3A_69 : vector<256x64xf32>
    %slice3A_71 = vector.extract_strided_slice %max3A_58 {offsets = [0, 8], sizes = [256, 56], strides = [1, 1]} : vector<256x64xf32> to vector<256x56xf32>
    %slice3A_72 = vector.extract_strided_slice %max3A_58 {offsets = [0, 0], sizes = [256, 8], strides = [1, 1]} : vector<256x64xf32> to vector<256x8xf32>
    %concatenate3A_73 = tpu.concatenate %slice3A_71, %slice3A_72 in 1 : vector<256x56xf32>, vector<256x8xf32> -> vector<256x64xf32>
    %max3A_74 = arith.maximumf %max3A_58, %concatenate3A_73 : vector<256x64xf32>
    %slice3A_75 = vector.extract_strided_slice %max3A_58 {offsets = [0, 10], sizes = [256, 54], strides = [1, 1]} : vector<256x64xf32> to vector<256x54xf32>
    %slice3A_76 = vector.extract_strided_slice %max3A_58 {offsets = [0, 0], sizes = [256, 10], strides = [1, 1]} : vector<256x64xf32> to vector<256x10xf32>
    %concatenate3A_77 = tpu.concatenate %slice3A_75, %slice3A_76 in 1 : vector<256x54xf32>, vector<256x10xf32> -> vector<256x64xf32>
    %max3A_78 = arith.maximumf %max3A_58, %concatenate3A_77 : vector<256x64xf32>
    %slice3A_79 = vector.extract_strided_slice %max3A_58 {offsets = [0, 12], sizes = [256, 52], strides = [1, 1]} : vector<256x64xf32> to vector<256x52xf32>
    %slice3A_80 = vector.extract_strided_slice %max3A_58 {offsets = [0, 0], sizes = [256, 12], strides = [1, 1]} : vector<256x64xf32> to vector<256x12xf32>
    %concatenate3A_81 = tpu.concatenate %slice3A_79, %slice3A_80 in 1 : vector<256x52xf32>, vector<256x12xf32> -> vector<256x64xf32>
    %max3A_82 = arith.maximumf %max3A_58, %concatenate3A_81 : vector<256x64xf32>
    %slice3A_83 = vector.extract_strided_slice %max3A_58 {offsets = [0, 14], sizes = [256, 50], strides = [1, 1]} : vector<256x64xf32> to vector<256x50xf32>
    %slice3A_84 = vector.extract_strided_slice %max3A_58 {offsets = [0, 0], sizes = [256, 14], strides = [1, 1]} : vector<256x64xf32> to vector<256x14xf32>
    %concatenate3A_85 = tpu.concatenate %slice3A_83, %slice3A_84 in 1 : vector<256x50xf32>, vector<256x14xf32> -> vector<256x64xf32>
    %max3A_86 = arith.maximumf %max3A_58, %concatenate3A_85 : vector<256x64xf32>
    %slice3A_87 = vector.extract_strided_slice %max3A_58 {offsets = [0, 16], sizes = [256, 48], strides = [1, 1]} : vector<256x64xf32> to vector<256x48xf32>
    %slice3A_88 = vector.extract_strided_slice %max3A_58 {offsets = [0, 0], sizes = [256, 16], strides = [1, 1]} : vector<256x64xf32> to vector<256x16xf32>
    %concatenate3A_89 = tpu.concatenate %slice3A_87, %slice3A_88 in 1 : vector<256x48xf32>, vector<256x16xf32> -> vector<256x64xf32>
    %max3A_90 = arith.maximumf %max3A_58, %concatenate3A_89 : vector<256x64xf32>
    %slice3A_91 = vector.extract_strided_slice %max3A_58 {offsets = [0, 16], sizes = [256, 48], strides = [1, 1]} : vector<256x64xf32> to vector<256x48xf32>
    %slice3A_92 = vector.extract_strided_slice %max3A_58 {offsets = [0, 0], sizes = [256, 16], strides = [1, 1]} : vector<256x64xf32> to vector<256x16xf32>
    %concatenate3A_93 = tpu.concatenate %slice3A_91, %slice3A_92 in 1 : vector<256x48xf32>, vector<256x16xf32> -> vector<256x64xf32>
    %max3A_94 = arith.maximumf %max3A_58, %concatenate3A_93 : vector<256x64xf32>
    %slice3A_95 = vector.extract_strided_slice %max3A_94 {offsets = [0, 4], sizes = [256, 60], strides = [1, 1]} : vector<256x64xf32> to vector<256x60xf32>
    %slice3A_96 = vector.extract_strided_slice %max3A_94 {offsets = [0, 0], sizes = [256, 4], strides = [1, 1]} : vector<256x64xf32> to vector<256x4xf32>
    %concatenate3A_97 = tpu.concatenate %slice3A_95, %slice3A_96 in 1 : vector<256x60xf32>, vector<256x4xf32> -> vector<256x64xf32>
    %max3A_98 = arith.maximumf %max3A_94, %concatenate3A_97 : vector<256x64xf32>
    %slice3A_99 = vector.extract_strided_slice %max3A_94 {offsets = [0, 8], sizes = [256, 56], strides = [1, 1]} : vector<256x64xf32> to vector<256x56xf32>
    %slice3A_100 = vector.extract_strided_slice %max3A_94 {offsets = [0, 0], sizes = [256, 8], strides = [1, 1]} : vector<256x64xf32> to vector<256x8xf32>
    %concatenate3A_101 = tpu.concatenate %slice3A_99, %slice3A_100 in 1 : vector<256x56xf32>, vector<256x8xf32> -> vector<256x64xf32>
    %max3A_102 = arith.maximumf %max3A_94, %concatenate3A_101 : vector<256x64xf32>
    %slice3A_103 = vector.extract_strided_slice %max3A_94 {offsets = [0, 12], sizes = [256, 52], strides = [1, 1]} : vector<256x64xf32> to vector<256x52xf32>
    %slice3A_104 = vector.extract_strided_slice %max3A_94 {offsets = [0, 0], sizes = [256, 12], strides = [1, 1]} : vector<256x64xf32> to vector<256x12xf32>
    %concatenate3A_105 = tpu.concatenate %slice3A_103, %slice3A_104 in 1 : vector<256x52xf32>, vector<256x12xf32> -> vector<256x64xf32>
    %max3A_106 = arith.maximumf %max3A_94, %concatenate3A_105 : vector<256x64xf32>
    %slice3A_107 = vector.extract_strided_slice %max3A_94 {offsets = [0, 16], sizes = [256, 48], strides = [1, 1]} : vector<256x64xf32> to vector<256x48xf32>
    %slice3A_108 = vector.extract_strided_slice %max3A_94 {offsets = [0, 0], sizes = [256, 16], strides = [1, 1]} : vector<256x64xf32> to vector<256x16xf32>
    %concatenate3A_109 = tpu.concatenate %slice3A_107, %slice3A_108 in 1 : vector<256x48xf32>, vector<256x16xf32> -> vector<256x64xf32>
    %max3A_110 = arith.maximumf %max3A_94, %concatenate3A_109 : vector<256x64xf32>
    %slice3A_111 = vector.extract_strided_slice %max3A_94 {offsets = [0, 20], sizes = [256, 44], strides = [1, 1]} : vector<256x64xf32> to vector<256x44xf32>
    %slice3A_112 = vector.extract_strided_slice %max3A_94 {offsets = [0, 0], sizes = [256, 20], strides = [1, 1]} : vector<256x64xf32> to vector<256x20xf32>
    %concatenate3A_113 = tpu.concatenate %slice3A_111, %slice3A_112 in 1 : vector<256x44xf32>, vector<256x20xf32> -> vector<256x64xf32>
    %max3A_114 = arith.maximumf %max3A_94, %concatenate3A_113 : vector<256x64xf32>
    %slice3A_115 = vector.extract_strided_slice %max3A_94 {offsets = [0, 24], sizes = [256, 40], strides = [1, 1]} : vector<256x64xf32> to vector<256x40xf32>
    %slice3A_116 = vector.extract_strided_slice %max3A_94 {offsets = [0, 0], sizes = [256, 24], strides = [1, 1]} : vector<256x64xf32> to vector<256x24xf32>
    %concatenate3A_117 = tpu.concatenate %slice3A_115, %slice3A_116 in 1 : vector<256x40xf32>, vector<256x24xf32> -> vector<256x64xf32>
    %max3A_118 = arith.maximumf %max3A_94, %concatenate3A_117 : vector<256x64xf32>
    %slice3A_119 = vector.extract_strided_slice %max3A_94 {offsets = [0, 28], sizes = [256, 36], strides = [1, 1]} : vector<256x64xf32> to vector<256x36xf32>
    %slice3A_120 = vector.extract_strided_slice %max3A_94 {offsets = [0, 0], sizes = [256, 28], strides = [1, 1]} : vector<256x64xf32> to vector<256x28xf32>
    %concatenate3A_121 = tpu.concatenate %slice3A_119, %slice3A_120 in 1 : vector<256x36xf32>, vector<256x28xf32> -> vector<256x64xf32>
    %max3A_122 = arith.maximumf %max3A_94, %concatenate3A_121 : vector<256x64xf32>
    %slice3A_123 = vector.extract_strided_slice %max3A_94 {offsets = [0, 32], sizes = [256, 32], strides = [1, 1]} : vector<256x64xf32> to vector<256x32xf32>
    %slice3A_124 = vector.extract_strided_slice %max3A_94 {offsets = [0, 0], sizes = [256, 32], strides = [1, 1]} : vector<256x64xf32> to vector<256x32xf32>
    %concatenate3A_125 = tpu.concatenate %slice3A_123, %slice3A_124 in 1 : vector<256x32xf32>, vector<256x32xf32> -> vector<256x64xf32>
    %max3A_126 = arith.maximumf %max3A_94, %concatenate3A_125 : vector<256x64xf32>
    %concatenate3A_127 = tpu.concatenate %get3A_1, %max3A, %max3A_6, %max3A_10, %max3A_14, %max3A_18, %max3A_22, %max3A_26, %max3A_30, %max3A_34, %max3A_38, %max3A_42, %max3A_46, %max3A_50, %max3A_54, %max3A_58, %max3A_62, %max3A_66, %max3A_70, %max3A_74, %max3A_78, %max3A_82, %max3A_86, %max3A_90, %max3A_98, %max3A_102, %max3A_106, %max3A_110, %max3A_114, %max3A_118, %max3A_122, %max3A_126 in 1 : vector<256x64xf32>, vector<256x64xf32>, vector<256x64xf32>, vector<256x64xf32>, vector<256x64xf32>, vector<256x64xf32>, vector<256x64xf32>, vector<256x64xf32>, vector<256x64xf32>, vector<256x64xf32>, vector<256x64xf32>, vector<256x64xf32>, vector<256x64xf32>, vector<256x64xf32>, vector<256x64xf32>, vector<256x64xf32>, vector<256x64xf32>, vector<256x64xf32>, vector<256x64xf32>, vector<256x64xf32>, vector<256x64xf32>, vector<256x64xf32>, vector<256x64xf32>, vector<256x64xf32>, vector<256x64xf32>, vector<256x64xf32>, vector<256x64xf32>, vector<256x64xf32>, vector<256x64xf32>, vector<256x64xf32>, vector<256x64xf32>, vector<256x64xf32> -> vector<256x2048xf32>
    %swap3A = arith.constant 0 : index
    %swap3A_128 = arith.constant 0 : index
    %swap3A_129 = vector.load %arg2[%swap3A, %swap3A_128] : memref<256x2048xf32, #tpu.memory_space<vmem>>, vector<256x2048xf32>
    tpu.vector_store %arg2[%swap3A, %swap3A_128], %concatenate3A_127 {strides = array<i32>} : memref<256x2048xf32, #tpu.memory_space<vmem>>, vector<256x2048xf32>,
    return
  }
  func.func @transform_0(%arg0: i32) -> (i32, i32) {
    %c0_i32 = arith.constant 0 : i32
    %c0_i32_0 = arith.constant 0 : i32
    return %arg0, %c0_i32 : i32, i32
  }
  func.func @transform_1(%arg0: i32) -> (i32, i32) {
    %c0_i32 = arith.constant 0 : i32
    %c0_i32_0 = arith.constant 0 : i32
    return %arg0, %c0_i32 : i32, i32
  }
}

module attributes {stable_mosaic.version = 14 : i64} {
  func.func @_mask_kernel(%arg0: memref<16x1x64x64xf32, #tpu.memory_space<vmem>>) attributes {dimension_semantics = [], scalar_prefetch = 0 : i64, scratch_operands = 0 : i64, tpu.core_type = #tpu.core_type<tc>} {
    %iota3A = tpu.iota {dimensions = array<i32: 0>} : vector<64x64xi32>
    %iota3A_0 = tpu.iota {dimensions = array<i32: 1>} : vector<64x64xi32>
    %sub3A = arith.subi %iota3A_0, %iota3A : vector<64x64xi32>
    %ge3A = arith.constant 0 : i32
    %ge3A_1 = vector.broadcast %ge3A : i32 to vector<64x64xi32>
    %ge3A_2 = arith.cmpi sge, %sub3A, %ge3A_1 : vector<64x64xi32>
    %le3A = arith.constant 15 : i32
    %le3A_3 = vector.broadcast %le3A : i32 to vector<64x64xi32>
    %le3A_4 = arith.cmpi sle, %sub3A, %le3A_3 : vector<64x64xi32>
    %and3A = arith.andi %ge3A_2, %le3A_4 : vector<64x64xi1>
    %jit3A = arith.constant 2 : i32
    %eq3A = arith.constant 0 : i32
    %eq3A_5 = arith.cmpi eq, %jit3A, %eq3A : i32
    %jit3A_6 = arith.constant 1 : i32
    %select_n3A = arith.select %eq3A_5, %jit3A_6, %jit3A : i32
    %rem3A = vector.broadcast %select_n3A : i32 to vector<64x64xi32>
    %rem3A_7 = arith.remsi %iota3A, %rem3A : vector<64x64xi32>
    %ne3A = arith.constant 0 : i32
    %ne3A_8 = vector.broadcast %ne3A : i32 to vector<64x64xi32>
    %ne3A_9 = arith.cmpi ne, %rem3A_7, %ne3A_8 : vector<64x64xi32>
    %lt3A = arith.constant 0 : i32
    %lt3A_10 = vector.broadcast %lt3A : i32 to vector<64x64xi32>
    %lt3A_11 = arith.cmpi slt, %rem3A_7, %lt3A_10 : vector<64x64xi32>
    %lt3A_12 = arith.constant 0 : i32
    %lt3A_13 = arith.cmpi slt, %select_n3A, %lt3A_12 : i32
    %ne3A_14 = vector.broadcast %lt3A_13 : i1 to vector<64x64xi1>
    %ne3A_15 = vector.broadcast %ne3A_14 : vector<64x64xi1> to vector<64x64xi1>
    %ne3A_16 = arith.xori %lt3A_11, %ne3A_15 : vector<64x64xi1>
    %and3A_17 = arith.andi %ne3A_16, %ne3A_9 : vector<64x64xi1>
    %add3A = vector.broadcast %select_n3A : i32 to vector<64x64xi32>
    %add3A_18 = arith.addi %rem3A_7, %add3A : vector<64x64xi32>
    %select_n3A_19 = arith.select %and3A_17, %add3A_18, %rem3A_7 : vector<64x64xi1>, vector<64x64xi32>
    %eq3A_20 = arith.constant 0 : i32
    %eq3A_21 = vector.broadcast %eq3A_20 : i32 to vector<64x64xi32>
    %eq3A_22 = arith.cmpi eq, %select_n3A_19, %eq3A_21 : vector<64x64xi32>
    %jit3A_23 = arith.constant 2 : i32
    %eq3A_24 = arith.constant 0 : i32
    %eq3A_25 = arith.cmpi eq, %jit3A_23, %eq3A_24 : i32
    %jit3A_26 = arith.constant 1 : i32
    %select_n3A_27 = arith.select %eq3A_25, %jit3A_26, %jit3A_23 : i32
    %rem3A_28 = vector.broadcast %select_n3A_27 : i32 to vector<64x64xi32>
    %rem3A_29 = arith.remsi %sub3A, %rem3A_28 : vector<64x64xi32>
    %ne3A_30 = arith.constant 0 : i32
    %ne3A_31 = vector.broadcast %ne3A_30 : i32 to vector<64x64xi32>
    %ne3A_32 = arith.cmpi ne, %rem3A_29, %ne3A_31 : vector<64x64xi32>
    %lt3A_33 = arith.constant 0 : i32
    %lt3A_34 = vector.broadcast %lt3A_33 : i32 to vector<64x64xi32>
    %lt3A_35 = arith.cmpi slt, %rem3A_29, %lt3A_34 : vector<64x64xi32>
    %lt3A_36 = arith.constant 0 : i32
    %lt3A_37 = arith.cmpi slt, %select_n3A_27, %lt3A_36 : i32
    %ne3A_38 = vector.broadcast %lt3A_37 : i1 to vector<64x64xi1>
    %ne3A_39 = vector.broadcast %ne3A_38 : vector<64x64xi1> to vector<64x64xi1>
    %ne3A_40 = arith.xori %lt3A_35, %ne3A_39 : vector<64x64xi1>
    %and3A_41 = arith.andi %ne3A_40, %ne3A_32 : vector<64x64xi1>
    %add3A_42 = vector.broadcast %select_n3A_27 : i32 to vector<64x64xi32>
    %add3A_43 = arith.addi %rem3A_29, %add3A_42 : vector<64x64xi32>
    %select_n3A_44 = arith.select %and3A_41, %add3A_43, %rem3A_29 : vector<64x64xi1>, vector<64x64xi32>
    %eq3A_45 = arith.constant 1 : i32
    %eq3A_46 = vector.broadcast %eq3A_45 : i32 to vector<64x64xi32>
    %eq3A_47 = arith.cmpi eq, %select_n3A_44, %eq3A_46 : vector<64x64xi32>
    %and3A_48 = arith.andi %eq3A_22, %eq3A_47 : vector<64x64xi1>
    %ge3A_49 = arith.constant 17 : i32
    %ge3A_50 = vector.broadcast %ge3A_49 : i32 to vector<64x64xi32>
    %ge3A_51 = arith.cmpi sge, %sub3A, %ge3A_50 : vector<64x64xi32>
    %and3A_52 = arith.andi %and3A_48, %ge3A_51 : vector<64x64xi1>
    %le3A_53 = arith.constant 31 : i32
    %le3A_54 = vector.broadcast %le3A_53 : i32 to vector<64x64xi32>
    %le3A_55 = arith.cmpi sle, %sub3A, %le3A_54 : vector<64x64xi32>
    %and3A_56 = arith.andi %and3A_52, %le3A_55 : vector<64x64xi1>
    %or3A = arith.ori %and3A, %and3A_56 : vector<64x64xi1>
    %jit3A_57 = arith.constant 4 : i32
    %eq3A_58 = arith.constant 0 : i32
    %eq3A_59 = arith.cmpi eq, %jit3A_57, %eq3A_58 : i32
    %jit3A_60 = arith.constant 1 : i32
    %select_n3A_61 = arith.select %eq3A_59, %jit3A_60, %jit3A_57 : i32
    %rem3A_62 = vector.broadcast %select_n3A_61 : i32 to vector<64x64xi32>
    %rem3A_63 = arith.remsi %iota3A, %rem3A_62 : vector<64x64xi32>
    %ne3A_64 = arith.constant 0 : i32
    %ne3A_65 = vector.broadcast %ne3A_64 : i32 to vector<64x64xi32>
    %ne3A_66 = arith.cmpi ne, %rem3A_63, %ne3A_65 : vector<64x64xi32>
    %lt3A_67 = arith.constant 0 : i32
    %lt3A_68 = vector.broadcast %lt3A_67 : i32 to vector<64x64xi32>
    %lt3A_69 = arith.cmpi slt, %rem3A_63, %lt3A_68 : vector<64x64xi32>
    %lt3A_70 = arith.constant 0 : i32
    %lt3A_71 = arith.cmpi slt, %select_n3A_61, %lt3A_70 : i32
    %ne3A_72 = vector.broadcast %lt3A_71 : i1 to vector<64x64xi1>
    %ne3A_73 = vector.broadcast %ne3A_72 : vector<64x64xi1> to vector<64x64xi1>
    %ne3A_74 = arith.xori %lt3A_69, %ne3A_73 : vector<64x64xi1>
    %and3A_75 = arith.andi %ne3A_74, %ne3A_66 : vector<64x64xi1>
    %add3A_76 = vector.broadcast %select_n3A_61 : i32 to vector<64x64xi32>
    %add3A_77 = arith.addi %rem3A_63, %add3A_76 : vector<64x64xi32>
    %select_n3A_78 = arith.select %and3A_75, %add3A_77, %rem3A_63 : vector<64x64xi1>, vector<64x64xi32>
    %eq3A_79 = arith.constant 0 : i32
    %eq3A_80 = vector.broadcast %eq3A_79 : i32 to vector<64x64xi32>
    %eq3A_81 = arith.cmpi eq, %select_n3A_78, %eq3A_80 : vector<64x64xi32>
    %jit3A_82 = arith.constant 4 : i32
    %eq3A_83 = arith.constant 0 : i32
    %eq3A_84 = arith.cmpi eq, %jit3A_82, %eq3A_83 : i32
    %jit3A_85 = arith.constant 1 : i32
    %select_n3A_86 = arith.select %eq3A_84, %jit3A_85, %jit3A_82 : i32
    %rem3A_87 = vector.broadcast %select_n3A_86 : i32 to vector<64x64xi32>
    %rem3A_88 = arith.remsi %sub3A, %rem3A_87 : vector<64x64xi32>
    %ne3A_89 = arith.constant 0 : i32
    %ne3A_90 = vector.broadcast %ne3A_89 : i32 to vector<64x64xi32>
    %ne3A_91 = arith.cmpi ne, %rem3A_88, %ne3A_90 : vector<64x64xi32>
    %lt3A_92 = arith.constant 0 : i32
    %lt3A_93 = vector.broadcast %lt3A_92 : i32 to vector<64x64xi32>
    %lt3A_94 = arith.cmpi slt, %rem3A_88, %lt3A_93 : vector<64x64xi32>
    %lt3A_95 = arith.constant 0 : i32
    %lt3A_96 = arith.cmpi slt, %select_n3A_86, %lt3A_95 : i32
    %ne3A_97 = vector.broadcast %lt3A_96 : i1 to vector<64x64xi1>
    %ne3A_98 = vector.broadcast %ne3A_97 : vector<64x64xi1> to vector<64x64xi1>
    %ne3A_99 = arith.xori %lt3A_94, %ne3A_98 : vector<64x64xi1>
    %and3A_100 = arith.andi %ne3A_99, %ne3A_91 : vector<64x64xi1>
    %add3A_101 = vector.broadcast %select_n3A_86 : i32 to vector<64x64xi32>
    %add3A_102 = arith.addi %rem3A_88, %add3A_101 : vector<64x64xi32>
    %select_n3A_103 = arith.select %and3A_100, %add3A_102, %rem3A_88 : vector<64x64xi1>, vector<64x64xi32>
    %eq3A_104 = arith.constant 3 : i32
    %eq3A_105 = vector.broadcast %eq3A_104 : i32 to vector<64x64xi32>
    %eq3A_106 = arith.cmpi eq, %select_n3A_103, %eq3A_105 : vector<64x64xi32>
    %and3A_107 = arith.andi %eq3A_81, %eq3A_106 : vector<64x64xi1>
    %ge3A_108 = arith.constant 35 : i32
    %ge3A_109 = vector.broadcast %ge3A_108 : i32 to vector<64x64xi32>
    %ge3A_110 = arith.cmpi sge, %sub3A, %ge3A_109 : vector<64x64xi32>
    %and3A_111 = arith.andi %and3A_107, %ge3A_110 : vector<64x64xi1>
    %or3A_112 = arith.ori %or3A, %and3A_111 : vector<64x64xi1>
    %convert_element_type3A = arith.extui %or3A_112 : vector<64x64xi1> to vector<64x64xi32>
    %convert_element_type3A_113 = arith.sitofp %convert_element_type3A : vector<64x64xi32> to vector<64x64xf32>
    %broadcast_in_dim3A = vector.shape_cast %convert_element_type3A_113 : vector<64x64xf32> to vector<1x1x64x64xf32>
    %broadcast_in_dim3A_114 = vector.shape_cast %broadcast_in_dim3A : vector<1x1x64x64xf32> to vector<1x1x64x64xf32>
    %broadcast_in_dim3A_115 = vector.broadcast %broadcast_in_dim3A_114 : vector<1x1x64x64xf32> to vector<16x1x64x64xf32>
    %swap3A = arith.constant 0 : index
    %swap3A_116 = arith.constant 0 : index
    %swap3A_117 = arith.constant 0 : index
    %swap3A_118 = arith.constant 0 : index
    %swap3A_119 = vector.load %arg0[%swap3A, %swap3A_116, %swap3A_117, %swap3A_118] : memref<16x1x64x64xf32, #tpu.memory_space<vmem>>, vector<16x1x64x64xf32>
    tpu.vector_store %arg0[%swap3A, %swap3A_116, %swap3A_117, %swap3A_118], %broadcast_in_dim3A_115 {strides = array<i32>} : memref<16x1x64x64xf32, #tpu.memory_space<vmem>>, vector<16x1x64x64xf32>,
    return
  }
}

</mosaic_0001>

<sc_bundles>
// kernel: kernel.5.cloned.1.call-start
scs
__scs_entry_jumppad:
0x0: {  	(pc) =	sbr.rel $0x88, $3  }
0x1: {  	(tag) =	ssettag $0x0;
	lr =	simm.s32 $0x1  }
0x2: {  	[smem:$0x3FA0] =	sst lr;
	_ =	strace $0xD0000000  }
0x3: {  	_ = 	snop  }
0x4: {  	_ = 	snop  }
0x5: {  	_ = 	snop  }
0x6: {  	_ = 	snop  }
0x7: {  	_ = 	snop  }
__scs_overlays_trampoline_lowered:
0x8: {  	[smem:$0x3FAF] =	sst s0  }
0x9: {  	[smem:$0x3FB0] =	sst s1  }
0xa: {  	[smem:$0x3FB1] =	sst s2  }
0xb: {  	[smem:$0x3FB2] =	sst s3  }
0xc: {  	[smem:$0x3FB3] =	sst s4  }
0xd: {  	[smem:$0x3FB4] =	sst s5  }
0xe: {  	[smem:$0x3FB5] =	sst s6  }
0xf: {  	[smem:$0x3FB6] =	sst s7  }
0x10: {  	[smem:$0x3FB7] =	sst s8  }
0x11: {  	[smem:$0x3FB8] =	sst s9;
	s0 =	simm.s32 @!p0 $0x0  }
0x12: {  	s1 =	sld [smem:$0x3F9E];
	s0 =	simm.s32 @p0 $0x1  }
0x13: {  	[smem:$0x3FB9] =	sst s0;
	s0 =	simm.s32 @!p1 $0x0  }
0x14: {  	s2 =	sld [smem:$0x3F9D];
	s0 =	simm.s32 @p1 $0x1  }
0x15: {  	[smem:$0x3FBA] =	sst s0;
	s0 =	simm.s32 @!p2 $0x0  }
0x16: {  	s3 =	sld [smem:$0x3FDB];
	s0 =	simm.s32 @p2 $0x1  }
0x17: {  	s4 =	simm.s32 $0x1BF5;
	[smem:$0x3FBC] =	sst s0  }
0x18: {  	s0 =	sld [smem:$0x3F9F];
	_ =	swait.ge [sflag:s4], $0x0  }
0x19: {  	s7 =	sld [smem:$0x3FA0]  }
0x1a: {  	s8 =	sadd.s32 $0xFFFFE003, lr  }
0x1b: {  	s9 =	sadd.s32 $0xFFFFFEF7, lr;
	s5 =	simm.s32 $0xFFFFFFFF;
	p2 =	slt.u32 s8, $0xFFFFF086  }
0x1c: {  	p1 =	slt.u32 s9, $0xF7A;
	s5 =	simm.s32 @!p2 $0x0  }
0x1d: {  	s5 =	simm.s32 @p1 $0x1;
	p0 =	seq.s32 s7, s2  }
0x1e: {  	s7 =	smul.u32 @!p0 $0xF7A, s2;
	p2 =	seq.s32 @!p0 s5, $0x0  }
0x1f: {  	s9 =	smul.u32 $0xF7A, s1;
	s8 =	simm.s32 @!p0 $0x1BF5;
	p2 =	por !p2, p0  }
0x20: {  	[sflag:s8] =	ssyncset.s32 @!p0 $0xFFFFF086;
	s6 =	sadd.s32 @!p0 s3, s7;
	s7 =	simm.s32 @!p0 $0x108  }
0x21: {  	s3 =	sadd.s32 s3, s9;
	s6 =	sadd.s32 @!p0 $0x88, s6;
	s7 =	simm.s32 @p2 $0x1082  }
0x22: {  	[simem:s7], [sflag:s8] =	dma.local @!p0 [hbm:s6], $0xF7A  }
0x23: {  	s9 =	sor.u32 $0xD0000000, s2;
	s6 =	simm.s32 $0x108;
	_ =	swait.ge @!p0 [sflag:s8], $0x0  }
0x24: {  	s3 =	sadd.s32 $0x88, s3;
	s6 =	simm.s32 @!p1 $0x1082;
	[sflag:s4] =	ssyncset.s32 $0xFFFFF086  }
0x25: {  	[simem:s6], [sflag:s4] =	dma.local [hbm:s3], $0xF7A  }
0x26: {  	[smem:$0x3FA0] =	sst s1;
	(tag) =	ssettag s2;
	_ =	strace s9  }
0x27: {  	s1 =	sld [smem:$0x3FB0]  }
0x28: {  	s2 =	sld [smem:$0x3FB1]  }
0x29: {  	s4 =	sld [smem:$0x3FB3]  }
0x2a: {  	p0 =	seq.s32 s5, $0x0;
	s5 =	sld [smem:$0x3FB4]  }
0x2b: {  	s6 =	sld [smem:$0x3FB5]  }
0x2c: {  	s7 =	sld [smem:$0x3FB6]  }
0x2d: {  	s3 =	simm.s32 $0x108;
	s8 =	sld [smem:$0x3FB7]  }
0x2e: {  	s3 =	simm.s32 @!p0 $0x1082;
	s9 =	sld [smem:$0x3FB8]  }
0x2f: {  	lr =	sadd.s32 s0, s3;
	s0 =	sld [smem:$0x3FAF]  }
0x30: {  	s3 =	sld [smem:$0x3FB2]  }
0x31: {  	[smem:$0x3FBB] =	sst s10  }
0x32: {  	s10 =	sld [smem:$0x3FB9];
	_ =	sdelay $0x3  }
0x33: {  	p0 =	seq.s32 s10, $0x1;
	s10 =	sld [smem:$0x3FBB];
	_ =	sdelay $0x3  }
0x34: {  	[smem:$0x3FBB] =	sst s10  }
0x35: {  	s10 =	sld [smem:$0x3FBA];
	_ =	sdelay $0x3  }
0x36: {  	p1 =	seq.s32 s10, $0x1;
	s10 =	sld [smem:$0x3FBB];
	_ =	sdelay $0x3  }
0x37: {  	[smem:$0x3FBB] =	sst s10  }
0x38: {  	s10 =	sld [smem:$0x3FBC]  }
0x39: {  	_ = 	snop;
	(pc) =	sbr.ind lr, $3  }
0x3a: {  	_ = 	snop  }
0x3b: {  	_ = 	snop  }
0x3c: {  	p2 =	seq.s32 s10, $0x1;
	s10 =	sld [smem:$0x3FBB]  }
0x3d: {  	_ =	shalt  }
0x3e: {  	_ =	shalt  }
0x3f: {  	_ =	shalt  }
0x40: {  	_ =	shalt  }
0x41: {  	_ =	shalt  }
0x42: {  	_ =	shalt  }
0x43: {  	_ =	shalt  }
0x44: {  	_ =	shalt  }
0x45: {  	_ =	shalt  }
0x46: {  	_ =	shalt  }
0x47: {  	_ =	shalt  }
0x48: {  	_ =	shalt  }
0x49: {  	_ =	shalt  }
0x4a: {  	_ =	shalt  }
0x4b: {  	_ =	shalt  }
0x4c: {  	_ =	shalt  }
0x4d: {  	_ =	shalt  }
0x4e: {  	_ =	shalt  }
0x4f: {  	_ =	shalt  }
0x50: {  	_ =	shalt  }
0x51: {  	_ =	shalt  }
0x52: {  	_ =	shalt  }
0x53: {  	_ =	shalt  }
0x54: {  	_ =	shalt  }
0x55: {  	_ =	shalt  }
0x56: {  	_ =	shalt  }
0x57: {  	_ =	shalt  }
0x58: {  	_ =	shalt  }
0x59: {  	_ =	shalt  }
0x5a: {  	_ =	shalt  }
0x5b: {  	_ =	shalt  }
0x5c: {  	_ =	shalt  }
0x5d: {  	_ =	shalt  }
0x5e: {  	_ =	shalt  }
0x5f: {  	_ =	shalt  }
0x60: {  	_ =	shalt  }
0x61: {  	_ =	shalt  }
0x62: {  	_ =	shalt  }
0x63: {  	_ =	shalt  }
0x64: {  	_ =	shalt  }
0x65: {  	_ =	shalt  }
0x66: {  	_ =	shalt  }
0x67: {  	_ =	shalt  }
0x68: {  	_ =	shalt  }
0x69: {  	_ =	shalt  }
0x6a: {  	_ =	shalt  }
0x6b: {  	_ =	shalt  }
0x6c: {  	_ =	shalt  }
0x6d: {  	_ =	shalt  }
0x6e: {  	_ =	shalt  }
0x6f: {  	_ =	shalt  }
0x70: {  	_ =	shalt  }
0x71: {  	_ =	shalt  }
0x72: {  	_ =	shalt  }
0x73: {  	_ =	shalt  }
0x74: {  	_ =	shalt  }
0x75: {  	_ =	shalt  }
0x76: {  	_ =	shalt  }
0x77: {  	_ =	shalt  }
0x78: {  	_ =	shalt  }
0x79: {  	_ =	shalt  }
0x7a: {  	_ =	shalt  }
0x7b: {  	_ =	shalt  }
0x7c: {  	_ =	shalt  }
0x7d: {  	_ =	shalt  }
0x7e: {  	_ =	shalt  }
0x7f: {  	_ =	shalt  }
0x80: {  	_ =	shalt  }
0x81: {  	_ =	shalt  }
0x82: {  	_ =	shalt  }
0x83: {  	_ =	shalt  }
0x84: {  	_ =	shalt  }
0x85: {  	_ =	shalt  }
0x86: {  	_ =	shalt  }
0x87: {  	_ =	shalt  }
.Lfunc_end0:
.L_simem_size_0:
called_computation_lowered:
.L_overlay_start_0:
0x88: {  	s2 =	sld [smem:$0x3FD9]  }
0x89: {  	s3 =	sld [smem:$0x3FFE];
	_ =	sdelay $0x1  }
0x8a: {  	s1 =	srdreg.scid  }
0x8b: {  	s0 =	sand.u32 $0x1, s1  }
0x8c: {  	s14 =	sshll.u32 s0, $0xA;
	s2 =	sadd.s32 s3, s2  }
0x8d: {  	s2 =	sadd.s32 s2, s14  }
0x8e: {  	[smem:$0x3FC7] =	sst s2  }
0x8f: {  	_ = 	snop  }
0x90: {  	s2 =	sld [smem:$0x3FD0];
	_ =	sdelay $0x2  }
0x91: {  	s15 =	simm.s32 $0xA;
	s4 =	simm.s32 $0x10  }
0x92: {  	[smem:s4], [sflag:s15] =	dma.local [hbm:s2], $0x1  }
0x93: {  	_ =	swait.eq [sflag:s15], $0x1  }
0x94: {  	[sflag:s15] =	ssyncset.done $0x0  }
0x95: {  	[sflag:s15] =	ssyncadd.s32 $0xFFFFFFFF  }
0x96: {  	s16 =	sld [smem:$0x10];
	(tm) =	ssettm $0x1  }
0x97: {  	s17 =	sld [smem:$0x3FFB];
	_ =	sdelay $0x3  }
0x98: {  	_ =	strace s17  }
0x99: {  	s3 =	sld [smem:$0x3FFC];
	_ =	sdelay $0x3  }
0x9a: {  	_ =	strace s3  }
0x9b: {  	s3 =	sld [smem:$0x3FFD];
	_ =	sdelay $0x3  }
0x9c: {  	_ =	strace s3  }
0x9d: {  	_ =	strace $0x8FFFFFFF  }
0x9e: {  	s18 =	sld [smem:$0x3FDB];
	_ =	sdelay $0x1  }
0x9f: {  	s19 =	simm.s32 $_scs_section_size  }
0xa0: {  	s5 =	simm.s32 $_size__tile_overlayer_lowered;
	s6 =	simm.s32 $_tile_overlayer_lowered  }
0xa1: {  	s22 =	simm.s32 $0x1BFF;
	s21 =	sshll.u32 s6, $0x1;
	s3 =	sadd.s32 s19, s18  }
0xa2: {  	s7 =	simm.s32 $0x0;
	s20 =	sshll.u32 s5, $0x1;
	s5 =	sadd.s32 s21, s3  }
0xa3: {  	[timem:s7], [sflag:s22] =	dma.local [hbm:s5], s20  }
0xa4: {  	_ =	swait.ge [sflag:s22], s20  }
0xa5: {  	s4 =	ssub.s32 $0x0, s20;
	[sflag:s22] =	ssyncset.done $0x0  }
0xa6: {  	[sflag:s22] =	ssyncadd.s32 s4;
	_ =	sdelay $0x1  }
0xa7: {  	s23 =	simm.s32 $0x1B8B  }
0xa8: {  	_ =	swait.ge [sflag:s23], $0x1  }
0xa9: {  	[sflag:s23] =	ssyncset.done $0x0  }
0xaa: {  	s25 =	simm.s32 $0x1B8E;
	s24 =	sld [smem:$0x3FFE];
	[sflag:s23] =	ssyncadd.s32 $0xFFFFFFFF  }
0xab: {  	s26 =	simm.s32 $execute0_lowered;
	[smem:$0x3FD2] =	sst s25  }
0xac: {  	s5 =	sshll.u32 s26, $0x1;
	_ =	strace $0x80000046;
	[dreg:$0x1] =	wrdreg $0xFFFFFFFF  }
0xad: {  	s28 =	simm.s32 $_size_execute0_lowered;
	s3 =	sadd.s32 s3, s5;
	[dreg:$0x0] =	wrdreg $0x0  }
0xae: {  	s5 =	sshll.u32 s28, $0x1;
	[dreg:$0x2] =	wrdreg s3  }
0xaf: {  	[dreg:$0x3] =	wrdreg s5  }
0xb0: {  	[dreg:$0x4] =	wrdreg $0xC0  }
0xb1: {  	_ =	task [dreg:s7], $0x5FFFF  }
0xb2: {  	[dreg:$0x1] =	wrdreg $0xFFFFFFFF  }
0xb3: {  	[dreg:$0x0] =	wrdreg $0x60  }
0xb4: {  	[dreg:$0x2] =	wrdreg s16  }
0xb5: {  	[dreg:$0x3] =	wrdreg s24  }
0xb6: {  	[dreg:$0x4] =	wrdreg $0x9  }
0xb7: {  	_ =	task.clear_ibuf [dreg:s7], $0x5FFFF;
	_ =	strace $0x90000046  }
0xb8: {  	s29 =	simm.s32 $0x9;
	_ =	strace $0x80000048  }
0xb9: {  	_ =	swait.ge [sflag:s29], $0x1  }
0xba: {  	[sflag:s29] =	ssyncadd.s32 $0xFFFFFFFF  }
0xbb: {  	_ =	strace $0x90000048  }
0xbc: {  	_ =	sfence  }
0xbd: {  	s30 =	sld [smem:$0x0];
	_ =	sdelay $0x2  }
0xbe: {  	s31 =	sshll.u32 s1, $0xD;
	s1 =	sshrl.u32 s1, $0x2  }
0xbf: {  	s3 =	sand.u32 $0x4000, s31;
	s1 =	sadd.s32 s1, s30  }
0xc0: {  	s0 =	sor.u32 s3, s0;
	s1 =	sshll.u32 s1, $0x11  }
0xc1: {  	s0 =	sor.u32 s1, s0  }
0xc2: {  	s0 =	sadd.s32 $0x8F2B, s0  }
0xc3: {  	[sflag:s0] =	ssyncadd.remote.s32 $0x1  }
0xc4: {  	_ =	sfence.sel $0xFFFF  }
0xc5: {  	[dreg:$0x0] =	wrdreg $0xFFFFFFFF;
	(pc) =	sbr.abs _section_cstart, $3  }
0xc6: {  	[dreg:$0x1] =	wrdreg $0xFFFFFFFF  }
0xc7: {  	_ =	task.clear_ibuf [dreg:s7], $0x2FFFF;
	_ =	strace $0x9FFFFFFF  }
0xc8: {  	(tm) =	ssettm $0x7FFFFFFF  }
0xc9: {  	_ =	shalt  }
tec
execute0_lowered:
.L_overlay_start_1:
0x0: {  	(tag) =	ssettag $0x1  }
0x1: {  	s1 =	rddreg [dreg:$0x0]  }
0x2: {  	s0 =	rddreg [dreg:$0x1];
	s2 =	srdreg.scid  }
0x3: {  	s3 =	simm.s32 $0x0;
	s9 =	stileid.u32;
	s8 =	simm.s32 $0x1  }
0x4: {  	s11 =	simm.s32 $0x1;
	s19 =	simm.s32 $0x5;
	s28 =	simm.s32 $0x2  }
0x5: {  	s29 =	simm.s32 $0x3;
	s30 =	simm.s32 $0x4;
	s31 =	simm.s32 $0x0  }
0x6: {  	s2 =	sand.u32 $0x1, s2;
	[smem:$0x7FF] =	sst s3;
	s6 =	sshll.u32 s9, $0x9  }
0x7: {  	s5 =	sadd.s32 $0x1000, s0;
	s7 =	sadd.s32 $0xA00, s0;
	s21 =	sadd.s32 $0xC00, s0  }
0x8: {  	s22 =	sadd.s32 $0xE00, s0;
	s10 =	sadd.s32 $0x2000, s0;
	s14 =	sadd.s32 $0x40, s1  }
0x9: {  	s4 =	sshll.u32 s2, $0x8;
	_ =	strace $0x80000047;
	[dreg:$0x3] =	wrdreg s7  }
0xa: {  	p1 =	seq.s32 s2, $0x1;
	[dreg:$0x4] =	wrdreg s21;
	s6 =	sor.u32 s4, s6  }
0xb: {  	[dreg:$0x5] =	wrdreg s22;
	s23 =	ssub.s32 $0x2, s2;
	p0 =	seq.s32 s6, $0x0  }
0xc: {  	s2 =	sshll.u32 s2, $0x15;
	s24 =	sshrl.u32 s23, $0x1;
	p0 =	por !p0, !p1  }
0xd: {  	s22 =	simm.s32 $0x4000;
	s0 =	ssub.s32 s23, s24;
	p0 =	por !p0, !p0  }
0xe: {  	s26 =	sshll.u32 s6, $0x8;
	s16 =	sor.u32 $0x8, s6;
	s8 =	simm.s32 @!p0 $0x0  }
0xf: {  	s23 =	simm.s32 $0xC000;
	s24 =	simm.s32 $0x200;
	s25 =	ssub.s32 s9, s8  }
0x10: {  	s13 =	sadd.s32 s1, s26;
	s17 =	smax.u32 s0, $0x1;
	s12 =	sshll.u32 s25, $0x16  }
0x11: {  	s26 =	simm.s32 $0x2000;
	s25 =	simm.s32 $0x400;
	s15 =	sor.u32 s12, s2  }
.LBB2_1:
0x12: {  	s0 =	rddreg [dreg:$0x3];
	s2 =	simm.s32 $0x14000  }
0x13: {  	[tilespmem:s2], [sflag:$0x5] =	stream.linear.gather [hbm4b:s0+s3], $0x480, $0x38;
	[tilespmem:$0x14D80] =	vst v63  }
0x14: {  	_ =	swait.ge [sflag:s19], $0x480  }
0x15: {  	[sflag:s19] =	ssyncset.done $0x0  }
0x16: {  	s18 =	simm.s32 $0x14480;
	s9 =	rddreg [dreg:$0x4];
	[sflag:s19] =	ssyncadd.s32 $0xFFFFFB80  }
0x17: {  	[tilespmem:s18], [sflag:$0x5] =	stream.linear.gather [hbm4b:s9+s3], $0x480, $0x38;
	[tilespmem:$0x14D80] =	vst v63  }
0x18: {  	_ =	swait.ge [sflag:s19], $0x480  }
0x19: {  	[sflag:s19] =	ssyncset.done $0x0  }
0x1a: {  	s21 =	simm.s32 $0x14900;
	s20 =	rddreg [dreg:$0x5];
	[sflag:s19] =	ssyncadd.s32 $0xFFFFFB80  }
0x1b: {  	[tilespmem:s21], [sflag:$0x5] =	stream.linear.gather [hbm4b:s20+s3], $0x480, $0x38;
	[tilespmem:$0x14D80] =	vst v63  }
0x1c: {  	_ =	swait.ge [sflag:s19], $0x480  }
0x1d: {  	[sflag:s19] =	ssyncset.done $0x0  }
0x1e: {  	[sflag:s19] =	ssyncadd.s32 $0xFFFFFB80  }
0x1f: {  	[tilespmem:s22], [sflag:$0x5] =	stream.linear.gather [hbm4b:s5+s3], $0x8000, $0x38;
	[tilespmem:$0x14D80] =	vst v63  }
0x20: {  	_ =	swait.ge [sflag:s19], $0x8000  }
0x21: {  	[sflag:s19] =	ssyncset.done $0x0  }
0x22: {  	[sflag:s19] =	ssyncadd.s32 $0xFFFF8000  }
0x23: {  	[tilespmem:s23], [sflag:$0x5] =	stream.linear.gather [hbm4b:s5+s3], $0x8000, $0x38;
	[tilespmem:$0x14D80] =	vst v63  }
0x24: {  	_ =	swait.ge [sflag:s19], $0x8000  }
0x25: {  	[sflag:s19] =	ssyncset.done $0x0  }
0x26: {  	s0 =	simm.s32 $0x0;
	[sflag:s19] =	ssyncadd.s32 $0xFFFF8000  }
0x27: {  	[tilespmem:s3], [sflag:$0x1] =	stream.strided.gather [hbm4b:s13+s24], $0x2000, s25, s24, $0x38;
	[tilespmem:$0x14D80] =	vst v63  }
.LBB2_2:
0x28: {  	s18 =	sshll.u32 s0, $0x3  }
0x29: {  	_ =	swait.ge [sflag:s11], $0x2000;
	s2 =	sadd.s32 s6, s18  }
0x2a: {  	[sflag:s11] =	ssyncset.done $0x0;
	s2 =	sshll.u32 s2, $0x8  }
0x2b: {  	p0 =	seq.s32 s0, $0x0;
	[sflag:s11] =	ssyncadd.s32 $0xFFFFE000;
	s2 =	sadd.s32 s2, s14  }
0x2c: {  	[tilespmem:s26], [sflag:$0x2] =	stream.strided.gather [hbm4b:s2+s24], $0x2000, s25, s24, $0x38;
	[tilespmem:$0x14D80] =	vst v63  }
0x2d: {  	s2 =	simm.s32 @!p0 $0x3  }
0x2e: {  	_ =	swait.ge @!p0 [sflag:s2], $0x8000  }
0x2f: {  	[sflag:s2] =	ssyncset.done @!p0 $0x0  }
0x30: {  	s20 =	simm.s32 $0x14040;
	[sflag:s2] =	ssyncadd.s32 @!p0 $0xFFFF8000  }
0x31: {  	v0 =	vld [tilespmem:s20+$0x30]  }
0x32: {  	v2 =	vld [tilespmem:s20+$0xFFFFFFE0]  }
0x33: {  	v3 =	vld [tilespmem:s20+$0xFFFFFFF0]  }
0x34: {  	s21 =	simm.s32 $0x144C0;
	v4 =	vld [tilespmem:s20+$0x0]  }
0x35: {  	s7 =	simm.s32 $0x14940;
	v5 =	vld [tilespmem:s21+$0x30]  }
0x36: {  	v7 =	vld [tilespmem:s7+$0x30]  }
0x37: {  	v9 =	vld [tilespmem:s20+$0x20]  }
0x38: {  	v11 =	vld [tilespmem:s20+$0xFFFFFFC0]  }
0x39: {  	v13 =	vld [tilespmem:s21+$0xFFFFFFC0]  }
0x3a: {  	v17 =	vld [tilespmem:s21+$0xFFFFFFD0]  }
0x3b: {  	v49 =	vld [tilespmem:s7+$0xFFFFFFD0]  }
0x3c: {  	v20 =	vld [tilespmem:s21+$0xFFFFFFE0]  }
0x3d: {  	v22 =	vld [tilespmem:s7+$0xFFFFFFE0];
	v6 =	vshll.u32 v0, $0x2  }
0x3e: {  	v23 =	vld [tilespmem:s21+$0xFFFFFFF0];
	v0 =	vand.u32 $0x7F, v0;
	v10 =	vshll.u32 v2, $0x2;
	v12 =	vshll.u32 v3, $0x2  }
0x3f: {  	v51 =	vld [tilespmem:s21+$0x0];
	v2 =	vand.u32 $0x7F, v2;
	v15 =	vand.u32 $0xFFFFFF80, v7;
	v5 =	vshll.u32 v5, $0x7  }
0x40: {  	v54 =	vld [tilespmem:s7+$0x0];
	v7 =	vand.u32 $0x7F, v7;
	v48 =	vshll.u32 v4, $0x2;
	v3 =	vand.u32 $0x7F, v3  }
0x41: {  	v59 =	vld [tilespmem:s7+$0x10];
	v4 =	vand.u32 $0x7F, v4;
	v19 =	vshll.u32 v9, $0x2;
	v21 =	vshll.u32 v11, $0x2  }
0x42: {  	v11 =	vand.u32 $0x7F, v11;
	v9 =	vand.u32 $0x7F, v9;
	v6 =	vand.u32 $0xFFFFFE00, v6  }
0x43: {  	v50 =	vshll.u32 v13, $0x7;
	v53 =	vand.u32 $0xFFFFFF80, v49;
	v0 =	vor.u32 v0, v6  }
0x44: {  	v17 =	vshll.u32 v17, $0x7;
	v57 =	vshll.u32 v20, $0x7;
	v58 =	vand.u32 $0xFFFFFF80, v22  }
0x45: {  	v1 =	vld [tilespmem:s20+$0xFFFFFFD0];
	v60 =	vshll.u32 v23, $0x7;
	v22 =	vand.u32 $0x7F, v22;
	v13 =	vshll.u32 v51, $0x7  }
0x46: {  	v8 =	vld [tilespmem:s20+$0x10];
	v30 =	vand.u32 $0xFFFFFF80, v54;
	v34 =	vand.u32 $0xFFFFFF80, v59;
	v20 =	vand.u32 $0x7F, v59  }
0x47: {  	s20 =	simm.s32 $0x0;
	v56 =	vld [tilespmem:s21+$0x10];
	v10 =	vand.u32 $0xFFFFFE00, v10;
	v12 =	vand.u32 $0xFFFFFE00, v12;
	v5 =	vadd.s32 v5, v15  }
0x48: {  	v19 =	vand.u32 $0xFFFFFE00, v19;
	v21 =	vand.u32 $0xFFFFFE00, v21;
	v5 =	vor.u32 v7, v5;
	v16 =	vld.idx.msk [tilespmem:v0+s20+$0x0], $0xffff  }
0x49: {  	v55 =	vadd.s32 v17, v53;
	v15 =	vand.u32 $0x7F, v49;
	v18 =	vor.u32 $0x80, v0  }
0x4a: {  	v13 =	vadd.s32 v13, v30;
	v6 =	vshll.u32 v1, $0x2;
	v1 =	vand.u32 $0x7F, v1  }
0x4b: {  	v14 =	vld [tilespmem:s7+$0xFFFFFFC0];
	v7 =	vand.u32 $0xFFFFFE00, v48;
	v2 =	vor.u32 v2, v10;
	v6 =	vand.u32 $0xFFFFFE00, v6  }
0x4c: {  	v61 =	vld [tilespmem:s21+$0x20];
	v11 =	vor.u32 v11, v21;
	v3 =	vor.u32 v3, v12;
	v1 =	vor.u32 v1, v6  }
0x4d: {  	v17 =	vshll.u32 v56, $0x7;
	v10 =	vld [tilespmem:s7+$0xFFFFFFF0];
	v9 =	vor.u32 v9, v19;
	v4 =	vor.u32 v4, v7;
	[tilespmem:v5+s22+$0x0] =	vst.idx.msk $0xffff, v16  }
0x4e: {  	v12 =	vor.u32 v15, v55;
	v21 =	vand.u32 $0x7F, v54;
	v52 =	vadd.s32 $0x2000, v5;
	v7 =	vld.idx.msk [tilespmem:v18+s20+$0x0], $0xffff  }
0x4f: {  	v26 =	vld [tilespmem:s7+$0x20];
	v24 =	vor.u32 $0x100, v0;
	v63 =	vadd.s32 $0x4000, v5;
	v6 =	vshll.u32 v8, $0x2  }
0x50: {  	v13 =	vor.u32 v21, v13;
	v8 =	vand.u32 $0x7F, v8;
	v6 =	vand.u32 $0xFFFFFE00, v6;
	v33 =	vld.idx.msk [tilespmem:v2+s20+$0x0], $0xffff  }
0x51: {  	v38 =	vor.u32 $0x80, v2;
	v6 =	vor.u32 v8, v6;
	v8 =	vand.u32 $0xFFFFFF80, v14;
	v31 =	vld.idx.msk [tilespmem:v1+s20+$0x0], $0xffff  }
0x52: {  	v36 =	vor.u32 $0x80, v1;
	v8 =	vadd.s32 v50, v8;
	v37 =	vld.idx.msk [tilespmem:v4+s20+$0x0], $0xffff;
	v18 =	vadd.s32 v57, v58  }
0x53: {  	v14 =	vand.u32 $0x7F, v14;
	v25 =	vand.u32 $0xFFFFFF80, v10;
	v35 =	vld.idx.msk [tilespmem:v3+s20+$0x0], $0xffff;
	v15 =	vor.u32 v22, v18;
	[tilespmem:v52+s22+$0x0] =	vst.idx.msk $0xffff, v7  }
0x54: {  	v10 =	vand.u32 $0x7F, v10;
	v7 =	vor.u32 v14, v8;
	v8 =	vadd.s32 v60, v25;
	v62 =	vld.idx.msk [tilespmem:v24+s20+$0x0], $0xffff  }
0x55: {  	v17 =	vadd.s32 v17, v34;
	v0 =	vor.u32 $0x180, v0;
	v10 =	vor.u32 v10, v8;
	v8 =	vld.idx.msk [tilespmem:v11+s20+$0x0], $0xffff  }
0x56: {  	v17 =	vor.u32 v20, v17;
	v42 =	vor.u32 $0x80, v4;
	v27 =	vld.idx.msk [tilespmem:v6+s20+$0x0], $0xffff;
	[tilespmem:v12+s22+$0x0] =	vst.idx.msk $0xffff, v31  }
0x57: {  	v32 =	vor.u32 $0x80, v11;
	v46 =	vadd.s32 $0x2000, v12;
	[tilespmem:v13+s22+$0x0] =	vst.idx.msk $0xffff, v37;
	v21 =	vld.idx.msk [tilespmem:v36+s20+$0x0], $0xffff  }
0x58: {  	v23 =	vshll.u32 v61, $0x7;
	v39 =	vand.u32 $0xFFFFFF80, v26;
	v29 =	vor.u32 $0x100, v1;
	v43 =	vld.idx.msk [tilespmem:v9+s20+$0x0], $0xffff;
	[tilespmem:v15+s22+$0x0] =	vst.idx.msk $0xffff, v33  }
0x59: {  	v40 =	vand.u32 $0x7F, v26;
	v41 =	vor.u32 $0x80, v3;
	v47 =	vadd.s32 $0x2000, v15;
	v20 =	vld.idx.msk [tilespmem:v38+s20+$0x0], $0xffff;
	[tilespmem:v63+s22+$0x0] =	vst.idx.msk $0xffff, v62  }
0x5a: {  	v30 =	vor.u32 $0x100, v2;
	v5 =	vadd.s32 $0x6000, v5;
	[tilespmem:v7+s22+$0x0] =	vst.idx.msk $0xffff, v8;
	v8 =	vadd.s32 v23, v39;
	v0 =	vld.idx.msk [tilespmem:v0+s20+$0x0], $0xffff  }
0x5b: {  	[tilespmem:v17+s22+$0x0] =	vst.idx.msk $0xffff, v27;
	v14 =	vld.idx.msk [tilespmem:v42+s20+$0x0], $0xffff;
	v16 =	vor.u32 v40, v8;
	v8 =	vor.u32 $0x80, v6  }
0x5c: {  	v45 =	vor.u32 $0x80, v9;
	v44 =	vadd.s32 $0x2000, v7;
	[tilespmem:v46+s22+$0x0] =	vst.idx.msk $0xffff, v21;
	v22 =	vld.idx.msk [tilespmem:v32+s20+$0x0], $0xffff  }
0x5d: {  	v28 =	vor.u32 $0x100, v11;
	v55 =	vadd.s32 $0x4000, v12;
	v29 =	vld.idx.msk [tilespmem:v29+s20+$0x0], $0xffff;
	[tilespmem:v10+s22+$0x0] =	vst.idx.msk $0xffff, v35  }
0x5e: {  	v1 =	vor.u32 $0x180, v1;
	v48 =	vadd.s32 $0x2000, v10;
	v26 =	vld.idx.msk [tilespmem:v41+s20+$0x0], $0xffff;
	[tilespmem:v47+s22+$0x0] =	vst.idx.msk $0xffff, v20  }
0x5f: {  	v24 =	vld.idx.msk [tilespmem:v30+s20+$0x0], $0xffff;
	[tilespmem:v5+s22+$0x0] =	vst.idx.msk $0xffff, v0;
	v0 =	vadd.s32 $0x2000, v13;
	v5 =	vor.u32 $0x100, v3  }
0x60: {  	v49 =	vadd.s32 $0x2000, v17;
	v31 =	vor.u32 $0x100, v4;
	v8 =	vld.idx.msk [tilespmem:v8+s20+$0x0], $0xffff;
	[tilespmem:v16+s22+$0x0] =	vst.idx.msk $0xffff, v43  }
0x61: {  	v52 =	vor.u32 $0x100, v6;
	v51 =	vadd.s32 $0x2000, v16;
	[tilespmem:v44+s22+$0x0] =	vst.idx.msk $0xffff, v22;
	v50 =	vld.idx.msk [tilespmem:v45+s20+$0x0], $0xffff  }
0x62: {  	v54 =	vor.u32 $0x100, v9;
	v53 =	vadd.s32 $0x4000, v7;
	[tilespmem:v55+s22+$0x0] =	vst.idx.msk $0xffff, v29;
	v28 =	vld.idx.msk [tilespmem:v28+s20+$0x0], $0xffff  }
0x63: {  	v61 =	vor.u32 $0x180, v6;
	v56 =	vadd.s32 $0x4000, v15;
	v11 =	vor.u32 $0x180, v11;
	v6 =	vld.idx.msk [tilespmem:v1+s20+$0x0], $0xffff;
	[tilespmem:v48+s22+$0x0] =	vst.idx.msk $0xffff, v26  }
0x64: {  	v2 =	vor.u32 $0x180, v2;
	v5 =	vld.idx.msk [tilespmem:v5+s20+$0x0], $0xffff;
	[tilespmem:v0+s22+$0x0] =	vst.idx.msk $0xffff, v14;
	v0 =	vadd.s32 $0x4000, v10  }
0x65: {  	v57 =	vadd.s32 $0x4000, v13;
	v3 =	vor.u32 $0x180, v3;
	[tilespmem:v49+s22+$0x0] =	vst.idx.msk $0xffff, v8;
	v14 =	vld.idx.msk [tilespmem:v31+s20+$0x0], $0xffff  }
0x66: {  	v58 =	vadd.s32 $0x4000, v17;
	v4 =	vor.u32 $0x180, v4;
	v23 =	vld.idx.msk [tilespmem:v52+s20+$0x0], $0xffff;
	[tilespmem:v51+s22+$0x0] =	vst.idx.msk $0xffff, v50  }
0x67: {  	v60 =	vadd.s32 $0x4000, v16;
	[tilespmem:v53+s22+$0x0] =	vst.idx.msk $0xffff, v28;
	v59 =	vld.idx.msk [tilespmem:v54+s20+$0x0], $0xffff  }
0x68: {  	v62 =	vadd.s32 $0x6000, v7;
	v63 =	vor.u32 $0x180, v9;
	[tilespmem:v56+s22+$0x0] =	vst.idx.msk $0xffff, v24;
	v11 =	vld.idx.msk [tilespmem:v11+s20+$0x0], $0xffff  }
0x69: {  	v7 =	vld.idx.msk [tilespmem:v2+s20+$0x0], $0xffff;
	v2 =	vadd.s32 $0x6000, v12;
	[tilespmem:v0+s22+$0x0] =	vst.idx.msk $0xffff, v5  }
0x6a: {  	v8 =	vld.idx.msk [tilespmem:v3+s20+$0x0], $0xffff;
	[tilespmem:v57+s22+$0x0] =	vst.idx.msk $0xffff, v14;
	v3 =	vadd.s32 $0x6000, v15  }
0x6b: {  	v1 =	vadd.s32 $0x6000, v10;
	[tilespmem:v58+s22+$0x0] =	vst.idx.msk $0xffff, v23;
	v9 =	vld.idx.msk [tilespmem:v4+s20+$0x0], $0xffff  }
0x6c: {  	v10 =	vld.idx.msk [tilespmem:v61+s20+$0x0], $0xffff;
	[tilespmem:v60+s22+$0x0] =	vst.idx.msk $0xffff, v59;
	v4 =	vadd.s32 $0x6000, v13  }
0x6d: {  	s8 =	simm.s32 $0x0;
	s9 =	simm.s32 $0x140C0;
	s2 =	sor.u32 $0x4, s18;
	v5 =	vadd.s32 $0x6000, v17;
	v0 =	vadd.s32 $0x6000, v16;
	[tilespmem:v62+s22+$0x0] =	vst.idx.msk $0xffff, v11;
	v11 =	vld.idx.msk [tilespmem:v63+s20+$0x0], $0xffff  }
.LBB2_3:
0x6e: {  	v12 =	vld [tilespmem:s9+$0x30];
	s8 =	sadd.s32 $0x8, s8;
	[tilespmem:v2+s22+$0x0] =	vst.idx.msk $0xffff, v6  }
0x6f: {  	v2 =	vld [tilespmem:s9+$0xFFFFFFD0];
	p0 =	slt.u32 s8, $0x38;
	[tilespmem:v3+s22+$0x0] =	vst.idx.msk $0xffff, v7  }
0x70: {  	v3 =	vld [tilespmem:s9+$0xFFFFFFE0];
	[tilespmem:v1+s22+$0x0] =	vst.idx.msk $0xffff, v8  }
0x71: {  	v1 =	vld [tilespmem:s9+$0xFFFFFFF0];
	[tilespmem:v4+s22+$0x0] =	vst.idx.msk $0xffff, v9  }
0x72: {  	s21 =	sadd.s32 $0x80, s21;
	v4 =	vld [tilespmem:s9+$0x0];
	[tilespmem:v5+s22+$0x0] =	vst.idx.msk $0xffff, v10  }
0x73: {  	s7 =	sadd.s32 $0x80, s7;
	v5 =	vld [tilespmem:s21+$0x30];
	v6 =	vshll.u32 v12, $0x2;
	[tilespmem:v0+s22+$0x0] =	vst.idx.msk $0xffff, v11  }
0x74: {  	v8 =	vand.u32 $0x7F, v12;
	v0 =	vshll.u32 v2, $0x2;
	v7 =	vld [tilespmem:s7+$0x30];
	v6 =	vand.u32 $0xFFFFFE00, v6  }
0x75: {  	v0 =	vand.u32 $0xFFFFFE00, v0;
	v9 =	vshll.u32 v3, $0x2;
	v10 =	vld [tilespmem:s9+$0x10];
	v8 =	vor.u32 v8, v6  }
0x76: {  	v2 =	vand.u32 $0x7F, v2;
	v6 =	vand.u32 $0xFFFFFE00, v9;
	v9 =	vshll.u32 v1, $0x2;
	v11 =	vld [tilespmem:s9+$0x20]  }
0x77: {  	v3 =	vand.u32 $0x7F, v3;
	v12 =	vld [tilespmem:s9+$0xFFFFFFC0];
	v9 =	vand.u32 $0xFFFFFE00, v9;
	v13 =	vshll.u32 v4, $0x2  }
0x78: {  	v1 =	vand.u32 $0x7F, v1;
	v4 =	vand.u32 $0x7F, v4;
	v14 =	vld [tilespmem:s21+$0xFFFFFFC0];
	v13 =	vand.u32 $0xFFFFFE00, v13  }
0x79: {  	v0 =	vor.u32 v2, v0;
	v5 =	vshll.u32 v5, $0x7;
	v15 =	vld [tilespmem:s7+$0xFFFFFFC0];
	v2 =	vand.u32 $0xFFFFFF80, v7  }
0x7a: {  	v7 =	vand.u32 $0x7F, v7;
	v16 =	vshll.u32 v10, $0x2;
	v17 =	vld.idx.msk [tilespmem:v8+s20+$0x0], $0xffff;
	v2 =	vadd.s32 v5, v2  }
0x7b: {  	v18 =	vld [tilespmem:s21+$0xFFFFFFD0];
	v16 =	vand.u32 $0xFFFFFE00, v16;
	v5 =	vshll.u32 v11, $0x2;
	v7 =	vor.u32 v7, v2  }
0x7c: {  	v21 =	vor.u32 $0x80, v8;
	v2 =	vshll.u32 v12, $0x2;
	v19 =	vld [tilespmem:s7+$0xFFFFFFD0];
	v20 =	vand.u32 $0xFFFFFE00, v5  }
0x7d: {  	v10 =	vand.u32 $0x7F, v10;
	v5 =	vand.u32 $0x7F, v12;
	v2 =	vand.u32 $0xFFFFFE00, v2;
	v12 =	vld [tilespmem:s21+$0xFFFFFFE0]  }
0x7e: {  	v6 =	vor.u32 v3, v6;
	v11 =	vand.u32 $0x7F, v11;
	v5 =	vor.u32 v5, v2;
	v22 =	vld [tilespmem:s7+$0xFFFFFFE0]  }
0x7f: {  	v3 =	vor.u32 v4, v13;
	v4 =	vor.u32 v10, v16;
	v2 =	vor.u32 v1, v9;
	v23 =	vld [tilespmem:s21+$0xFFFFFFF0]  }
0x80: {  	v10 =	vshll.u32 v14, $0x7;
	v9 =	vand.u32 $0xFFFFFF80, v15;
	v1 =	vor.u32 v11, v20;
	v13 =	vld [tilespmem:s7+$0xFFFFFFF0];
	[tilespmem:v7+s22+$0x0] =	vst.idx.msk $0xffff, v17  }
0x81: {  	v9 =	vadd.s32 v10, v9;
	v11 =	vshll.u32 v18, $0x7;
	v10 =	vand.u32 $0xFFFFFF80, v19;
	v14 =	vld.idx.msk [tilespmem:v21+s20+$0x0], $0xffff  }
0x82: {  	v16 =	vadd.s32 $0x2000, v7;
	v10 =	vadd.s32 v11, v10;
	v11 =	vshll.u32 v12, $0x7;
	v12 =	vld [tilespmem:s21+$0x0]  }
0x83: {  	v15 =	vand.u32 $0x7F, v15;
	v20 =	vor.u32 $0x100, v8;
	v17 =	vand.u32 $0xFFFFFF80, v22;
	v18 =	vld [tilespmem:s7+$0x0]  }
0x84: {  	v19 =	vand.u32 $0x7F, v19;
	v11 =	vadd.s32 v11, v17;
	v17 =	vshll.u32 v23, $0x7;
	v21 =	vld [tilespmem:s21+$0x10]  }
0x85: {  	v22 =	vand.u32 $0x7F, v22;
	v23 =	vand.u32 $0xFFFFFF80, v13;
	v13 =	vand.u32 $0x7F, v13;
	v24 =	vld [tilespmem:s7+$0x10]  }
0x86: {  	v9 =	vor.u32 v15, v9;
	v10 =	vor.u32 v19, v10;
	v15 =	vadd.s32 v17, v23;
	v17 =	vld [tilespmem:s21+$0x20]  }
0x87: {  	v11 =	vor.u32 v22, v11;
	v13 =	vor.u32 v13, v15;
	v12 =	vshll.u32 v12, $0x7;
	v15 =	vld [tilespmem:s7+$0x20];
	[tilespmem:v16+s22+$0x0] =	vst.idx.msk $0xffff, v14  }
0x88: {  	v14 =	vor.u32 $0x80, v5;
	v16 =	vand.u32 $0xFFFFFF80, v18;
	v18 =	vand.u32 $0x7F, v18;
	v19 =	vld.idx.msk [tilespmem:v20+s20+$0x0], $0xffff  }
0x89: {  	v20 =	vld.idx.msk [tilespmem:v5+s20+$0x0], $0xffff;
	v12 =	vadd.s32 v12, v16;
	v16 =	vshll.u32 v21, $0x7;
	v21 =	vadd.s32 $0x4000, v7  }
0x8a: {  	v8 =	vor.u32 $0x180, v8;
	v22 =	vld.idx.msk [tilespmem:v0+s20+$0x0], $0xffff;
	v23 =	vand.u32 $0xFFFFFF80, v24;
	v24 =	vand.u32 $0x7F, v24  }
0x8b: {  	v12 =	vor.u32 v18, v12;
	v25 =	vld.idx.msk [tilespmem:v6+s20+$0x0], $0xffff;
	v16 =	vadd.s32 v16, v23;
	v17 =	vshll.u32 v17, $0x7  }
0x8c: {  	v18 =	vld.idx.msk [tilespmem:v2+s20+$0x0], $0xffff;
	v16 =	vor.u32 v24, v16;
	v23 =	vand.u32 $0xFFFFFF80, v15;
	v15 =	vand.u32 $0x7F, v15  }
0x8d: {  	v26 =	vor.u32 $0x80, v6;
	v24 =	vor.u32 $0x80, v0;
	v27 =	vld.idx.msk [tilespmem:v3+s20+$0x0], $0xffff;
	v17 =	vadd.s32 v17, v23  }
0x8e: {  	v28 =	vor.u32 $0x80, v3;
	v23 =	vor.u32 $0x80, v2;
	v29 =	vld.idx.msk [tilespmem:v4+s20+$0x0], $0xffff;
	v15 =	vor.u32 v15, v17;
	[tilespmem:v21+s22+$0x0] =	vst.idx.msk $0xffff, v19  }
0x8f: {  	v17 =	vadd.s32 $0x2000, v9;
	v19 =	vor.u32 $0x80, v4;
	[tilespmem:v9+s22+$0x0] =	vst.idx.msk $0xffff, v20;
	v20 =	vor.u32 $0x80, v1;
	v8 =	vld.idx.msk [tilespmem:v8+s20+$0x0], $0xffff  }
0x90: {  	v7 =	vadd.s32 $0x6000, v7;
	v21 =	vadd.s32 $0x2000, v10;
	[tilespmem:v10+s22+$0x0] =	vst.idx.msk $0xffff, v22;
	v22 =	vadd.s32 $0x2000, v11;
	v30 =	vld.idx.msk [tilespmem:v1+s20+$0x0], $0xffff  }
0x91: {  	v31 =	vadd.s32 $0x2000, v12;
	v32 =	vadd.s32 $0x2000, v16;
	v14 =	vld.idx.msk [tilespmem:v14+s20+$0x0], $0xffff;
	[tilespmem:v11+s22+$0x0] =	vst.idx.msk $0xffff, v25;
	v25 =	vadd.s32 $0x2000, v13  }
0x92: {  	v34 =	vor.u32 $0x100, v0;
	v33 =	vor.u32 $0x100, v5;
	v24 =	vld.idx.msk [tilespmem:v24+s20+$0x0], $0xffff;
	[tilespmem:v13+s22+$0x0] =	vst.idx.msk $0xffff, v18;
	v18 =	vadd.s32 $0x2000, v15  }
0x93: {  	v35 =	vor.u32 $0x100, v6;
	v36 =	vor.u32 $0x100, v2;
	v26 =	vld.idx.msk [tilespmem:v26+s20+$0x0], $0xffff;
	[tilespmem:v12+s22+$0x0] =	vst.idx.msk $0xffff, v27;
	v27 =	vor.u32 $0x100, v3  }
0x94: {  	v38 =	vor.u32 $0x100, v1;
	v37 =	vadd.s32 $0x4000, v9;
	v23 =	vld.idx.msk [tilespmem:v23+s20+$0x0], $0xffff;
	[tilespmem:v16+s22+$0x0] =	vst.idx.msk $0xffff, v29;
	v29 =	vor.u32 $0x100, v4  }
0x95: {  	v39 =	vadd.s32 $0x4000, v10;
	v40 =	vadd.s32 $0x4000, v11;
	v41 =	vadd.s32 $0x4000, v13;
	v28 =	vld.idx.msk [tilespmem:v28+s20+$0x0], $0xffff;
	[tilespmem:v7+s22+$0x0] =	vst.idx.msk $0xffff, v8  }
0x96: {  	v42 =	vadd.s32 $0x4000, v12;
	v7 =	vld.idx.msk [tilespmem:v19+s20+$0x0], $0xffff;
	v19 =	vadd.s32 $0x4000, v16;
	[tilespmem:v15+s22+$0x0] =	vst.idx.msk $0xffff, v30;
	v30 =	vadd.s32 $0x4000, v15  }
0x97: {  	v8 =	vor.u32 $0x180, v5;
	[tilespmem:v17+s22+$0x0] =	vst.idx.msk $0xffff, v14;
	v14 =	vor.u32 $0x180, v0;
	v17 =	vor.u32 $0x180, v6;
	v6 =	vld.idx.msk [tilespmem:v20+s20+$0x0], $0xffff  }
0x98: {  	v20 =	vld.idx.msk [tilespmem:v33+s20+$0x0], $0xffff;
	[tilespmem:v21+s22+$0x0] =	vst.idx.msk $0xffff, v24;
	v21 =	vor.u32 $0x180, v2;
	v24 =	vor.u32 $0x180, v3;
	v33 =	vor.u32 $0x180, v4  }
0x99: {  	v43 =	vadd.s32 $0x6000, v9;
	v2 =	vadd.s32 $0x6000, v10;
	v9 =	vld.idx.msk [tilespmem:v34+s20+$0x0], $0xffff;
	[tilespmem:v22+s22+$0x0] =	vst.idx.msk $0xffff, v26;
	v22 =	vor.u32 $0x180, v1  }
0x9a: {  	v3 =	vadd.s32 $0x6000, v11;
	v4 =	vadd.s32 $0x6000, v12;
	v1 =	vadd.s32 $0x6000, v13;
	v10 =	vld.idx.msk [tilespmem:v35+s20+$0x0], $0xffff;
	[tilespmem:v25+s22+$0x0] =	vst.idx.msk $0xffff, v23  }
0x9b: {  	v5 =	vadd.s32 $0x6000, v16;
	v0 =	vadd.s32 $0x6000, v15;
	v11 =	vld.idx.msk [tilespmem:v36+s20+$0x0], $0xffff;
	[tilespmem:v31+s22+$0x0] =	vst.idx.msk $0xffff, v28  }
0x9c: {  	v12 =	vld.idx.msk [tilespmem:v27+s20+$0x0], $0xffff;
	[tilespmem:v32+s22+$0x0] =	vst.idx.msk $0xffff, v7  }
0x9d: {  	v13 =	vld.idx.msk [tilespmem:v29+s20+$0x0], $0xffff;
	[tilespmem:v18+s22+$0x0] =	vst.idx.msk $0xffff, v6  }
0x9e: {  	[tilespmem:v37+s22+$0x0] =	vst.idx.msk $0xffff, v20;
	v15 =	vld.idx.msk [tilespmem:v38+s20+$0x0], $0xffff  }
0x9f: {  	v16 =	vld.idx.msk [tilespmem:v8+s20+$0x0], $0xffff;
	[tilespmem:v39+s22+$0x0] =	vst.idx.msk $0xffff, v9  }
0xa0: {  	v6 =	vld.idx.msk [tilespmem:v14+s20+$0x0], $0xffff;
	[tilespmem:v40+s22+$0x0] =	vst.idx.msk $0xffff, v10  }
.Ltmp0:
0xa1: {  	v7 =	vld.idx.msk [tilespmem:v17+s20+$0x0], $0xffff;
	[tilespmem:v41+s22+$0x0] =	vst.idx.msk $0xffff, v11;
	(pc) =	sbr.rel @p0 .LBB2_3-.Ltmp0, $4  }
0xa2: {  	v8 =	vld.idx.msk [tilespmem:v21+s20+$0x0], $0xffff;
	[tilespmem:v42+s22+$0x0] =	vst.idx.msk $0xffff, v12  }
0xa3: {  	v9 =	vld.idx.msk [tilespmem:v24+s20+$0x0], $0xffff;
	[tilespmem:v19+s22+$0x0] =	vst.idx.msk $0xffff, v13  }
0xa4: {  	v10 =	vld.idx.msk [tilespmem:v33+s20+$0x0], $0xffff;
	[tilespmem:v30+s22+$0x0] =	vst.idx.msk $0xffff, v15  }
0xa5: {  	s9 =	sadd.s32 $0x80, s9;
	[tilespmem:v43+s22+$0x0] =	vst.idx.msk $0xffff, v16;
	v11 =	vld.idx.msk [tilespmem:v22+s20+$0x0], $0xffff  }
0xa6: {  	_ =	sdelay $0x3  }
0xa7: {  	[tilespmem:v2+s22+$0x0] =	vst.idx.msk $0xffff, v6  }
0xa8: {  	[tilespmem:v3+s22+$0x0] =	vst.idx.msk $0xffff, v7  }
0xa9: {  	[tilespmem:v1+s22+$0x0] =	vst.idx.msk $0xffff, v8  }
0xaa: {  	[tilespmem:v4+s22+$0x0] =	vst.idx.msk $0xffff, v9  }
0xab: {  	[tilespmem:v5+s22+$0x0] =	vst.idx.msk $0xffff, v10  }
0xac: {  	[tilespmem:v0+s22+$0x0] =	vst.idx.msk $0xffff, v11  }
.LBB2_5:
0xad: {  	s7 =	sshra.s32 s20, $0x2  }
0xae: {  	v0 =	vld [tilespmem:s7+$0x14400];
	_ =	sdelay $0x3  }
0xaf: {  	v1 =	vld [tilespmem:s7+$0x14880]  }
0xb0: {  	v2 =	vld [tilespmem:s7+$0x14D00];
	v3 =	vshll.u32 v0, $0x2  }
0xb1: {  	v0 =	vand.u32 $0x7F, v0;
	v3 =	vand.u32 $0xFFFFFE00, v3  }
0xb2: {  	v0 =	vor.u32 v0, v3;
	_ =	sdelay $0x2  }
0xb3: {  	v59 =	vand.u32 $0xFFFFFF80, v2;
	v1 =	vshll.u32 v1, $0x7  }
0xb4: {  	v2 =	vand.u32 $0x7F, v2;
	v1 =	vadd.s32 v1, v59  }
0xb5: {  	v1 =	vor.u32 v2, v1;
	v60 =	vld.idx.msk [tilespmem:v0+s3+$0x0], $0xffff  }
0xb6: {  	v61 =	vor.u32 $0x80, v0;
	_ =	sdelay $0x3  }
0xb7: {  	[tilespmem:v1+s22+$0x0] =	vst.idx.msk $0xffff, v60  }
0xb8: {  	v62 =	vadd.s32 $0x2000, v1;
	v2 =	vld.idx.msk [tilespmem:v61+s3+$0x0], $0xffff  }
0xb9: {  	v4 =	vor.u32 $0x100, v0;
	_ =	sdelay $0x3  }
0xba: {  	[tilespmem:v62+s22+$0x0] =	vst.idx.msk $0xffff, v2  }
0xbb: {  	v63 =	vadd.s32 $0x4000, v1;
	v2 =	vld.idx.msk [tilespmem:v4+s3+$0x0], $0xffff  }
0xbc: {  	v0 =	vor.u32 $0x180, v0;
	_ =	sdelay $0x3  }
0xbd: {  	[tilespmem:v63+s22+$0x0] =	vst.idx.msk $0xffff, v2  }
0xbe: {  	p0 =	sne.s32 s20, $0x100;
	v1 =	vadd.s32 $0x6000, v1;
	v0 =	vld.idx.msk [tilespmem:v0+s3+$0x0], $0xffff  }
.Ltmp1:
0xbf: {  	_ = 	snop;
	(pc) =	sbr.rel @p0 .LBB2_5-.Ltmp1, $2  }
0xc0: {  	_ =	sdelay $0x2  }
0xc1: {  	s20 =	sadd.s32 $0x40, s20;
	[tilespmem:v1+s22+$0x0] =	vst.idx.msk $0xffff, v0  }
0xc2: {  	s7 =	sshll.u32 s0, $0x10  }
0xc3: {  	s7 =	sadd.s32 s15, s7  }
0xc4: {  	p0 =	seq.s32 s0, $0x1F;
	s7 =	sshrl.u32 s7, $0x3  }
0xc5: {  	p1 =	seq.s32 @!p0 s0, $0x0;
	s7 =	sadd.s32 s10, s7  }
0xc6: {  	[hbm4b:s7+s3] =	stream.linear.scatter [tilespmem:s22], [sflag:$0x3], $0x8000, $0x38;
	[tilespmem:$0x14D80] =	vst v63  }
0xc7: {  	s8 =	simm.s32 @!p0 $0x200;
	s7 =	sadd.s32 @!p0 s18, s16;
	_ =	swait.ge [sflag:s28], $0x2000  }
0xc8: {  	s9 =	simm.s32 @!p0 $0x400;
	s7 =	sshll.u32 @!p0 s7, $0x8;
	[sflag:s28] =	ssyncset.done $0x0  }
0xc9: {  	s18 =	simm.s32 @!p0 $0x0;
	s7 =	sadd.s32 @!p0 s1, s7;
	[sflag:s28] =	ssyncadd.s32 $0xFFFFE000  }
0xca: {  	[tilespmem:s18], [sflag:$0x1] =	stream.strided.gather @!p0 [hbm4b:s7+s8], $0x2000, s9, s8, $0x38;
	[tilespmem:$0x14D80] =	vst v63  }
0xcb: {  	p0 =	por p0, !p1  }
0xcc: {  	_ =	swait.ge @p0 [sflag:s30], $0x8000  }
0xcd: {  	[sflag:s30] =	ssyncset.done @p0 $0x0  }
0xce: {  	s21 =	simm.s32 $0x14040;
	[sflag:s30] =	ssyncadd.s32 @p0 $0xFFFF8000  }
0xcf: {  	v0 =	vld [tilespmem:s21+$0x30]  }
0xd0: {  	v2 =	vld [tilespmem:s21+$0xFFFFFFE0]  }
0xd1: {  	v3 =	vld [tilespmem:s21+$0xFFFFFFF0]  }
0xd2: {  	s18 =	simm.s32 $0x144C0;
	v4 =	vld [tilespmem:s21+$0x0]  }
0xd3: {  	s7 =	simm.s32 $0x14940;
	v5 =	vld [tilespmem:s18+$0x30]  }
0xd4: {  	v7 =	vld [tilespmem:s7+$0x30]  }
0xd5: {  	v9 =	vld [tilespmem:s21+$0x20]  }
0xd6: {  	v11 =	vld [tilespmem:s21+$0xFFFFFFC0]  }
0xd7: {  	v13 =	vld [tilespmem:s18+$0xFFFFFFC0]  }
0xd8: {  	v17 =	vld [tilespmem:s18+$0xFFFFFFD0]  }
0xd9: {  	v49 =	vld [tilespmem:s7+$0xFFFFFFD0]  }
0xda: {  	v20 =	vld [tilespmem:s18+$0xFFFFFFE0]  }
0xdb: {  	v22 =	vld [tilespmem:s7+$0xFFFFFFE0];
	v6 =	vshll.u32 v0, $0x2  }
0xdc: {  	v23 =	vld [tilespmem:s18+$0xFFFFFFF0];
	v0 =	vand.u32 $0x7F, v0;
	v10 =	vshll.u32 v2, $0x2;
	v12 =	vshll.u32 v3, $0x2  }
0xdd: {  	v51 =	vld [tilespmem:s18+$0x0];
	v2 =	vand.u32 $0x7F, v2;
	v15 =	vand.u32 $0xFFFFFF80, v7;
	v5 =	vshll.u32 v5, $0x7  }
0xde: {  	v54 =	vld [tilespmem:s7+$0x0];
	v7 =	vand.u32 $0x7F, v7;
	v48 =	vshll.u32 v4, $0x2;
	v3 =	vand.u32 $0x7F, v3  }
0xdf: {  	v59 =	vld [tilespmem:s7+$0x10];
	v4 =	vand.u32 $0x7F, v4;
	v19 =	vshll.u32 v9, $0x2;
	v21 =	vshll.u32 v11, $0x2  }
0xe0: {  	v11 =	vand.u32 $0x7F, v11;
	v9 =	vand.u32 $0x7F, v9;
	v6 =	vand.u32 $0xFFFFFE00, v6  }
0xe1: {  	v50 =	vshll.u32 v13, $0x7;
	v53 =	vand.u32 $0xFFFFFF80, v49;
	v0 =	vor.u32 v0, v6  }
0xe2: {  	v17 =	vshll.u32 v17, $0x7;
	v57 =	vshll.u32 v20, $0x7;
	v58 =	vand.u32 $0xFFFFFF80, v22  }
0xe3: {  	v1 =	vld [tilespmem:s21+$0xFFFFFFD0];
	v60 =	vshll.u32 v23, $0x7;
	v22 =	vand.u32 $0x7F, v22;
	v13 =	vshll.u32 v51, $0x7  }
0xe4: {  	v30 =	vand.u32 $0xFFFFFF80, v54;
	v34 =	vand.u32 $0xFFFFFF80, v59;
	v20 =	vand.u32 $0x7F, v59  }
0xe5: {  	v56 =	vld [tilespmem:s18+$0x10];
	v10 =	vand.u32 $0xFFFFFE00, v10;
	v12 =	vand.u32 $0xFFFFFE00, v12;
	v5 =	vadd.s32 v5, v15  }
0xe6: {  	v19 =	vand.u32 $0xFFFFFE00, v19;
	v21 =	vand.u32 $0xFFFFFE00, v21;
	v5 =	vor.u32 v7, v5;
	v16 =	vld.idx.msk [tilespmem:v0+s26+$0x0], $0xffff  }
0xe7: {  	v55 =	vadd.s32 v17, v53;
	v15 =	vand.u32 $0x7F, v49;
	v18 =	vor.u32 $0x80, v0  }
0xe8: {  	v8 =	vld [tilespmem:s21+$0x10];
	v13 =	vadd.s32 v13, v30;
	v6 =	vshll.u32 v1, $0x2;
	v1 =	vand.u32 $0x7F, v1  }
0xe9: {  	v14 =	vld [tilespmem:s7+$0xFFFFFFC0];
	v7 =	vand.u32 $0xFFFFFE00, v48;
	v2 =	vor.u32 v2, v10;
	v6 =	vand.u32 $0xFFFFFE00, v6  }
0xea: {  	v61 =	vld [tilespmem:s18+$0x20];
	v11 =	vor.u32 v11, v21;
	v3 =	vor.u32 v3, v12;
	v1 =	vor.u32 v1, v6  }
0xeb: {  	v17 =	vshll.u32 v56, $0x7;
	v10 =	vld [tilespmem:s7+$0xFFFFFFF0];
	v9 =	vor.u32 v9, v19;
	v4 =	vor.u32 v4, v7;
	[tilespmem:v5+s23+$0x0] =	vst.idx.msk $0xffff, v16  }
0xec: {  	v12 =	vor.u32 v15, v55;
	v21 =	vand.u32 $0x7F, v54;
	v52 =	vadd.s32 $0x2000, v5;
	v7 =	vld.idx.msk [tilespmem:v18+s26+$0x0], $0xffff  }
0xed: {  	v26 =	vld [tilespmem:s7+$0x20];
	v24 =	vor.u32 $0x100, v0;
	v63 =	vadd.s32 $0x4000, v5;
	v6 =	vshll.u32 v8, $0x2  }
0xee: {  	v13 =	vor.u32 v21, v13;
	v8 =	vand.u32 $0x7F, v8;
	v6 =	vand.u32 $0xFFFFFE00, v6;
	v33 =	vld.idx.msk [tilespmem:v2+s26+$0x0], $0xffff  }
0xef: {  	v38 =	vor.u32 $0x80, v2;
	v6 =	vor.u32 v8, v6;
	v8 =	vand.u32 $0xFFFFFF80, v14;
	v31 =	vld.idx.msk [tilespmem:v1+s26+$0x0], $0xffff  }
0xf0: {  	v36 =	vor.u32 $0x80, v1;
	v8 =	vadd.s32 v50, v8;
	v37 =	vld.idx.msk [tilespmem:v4+s26+$0x0], $0xffff;
	v18 =	vadd.s32 v57, v58  }
0xf1: {  	v14 =	vand.u32 $0x7F, v14;
	v25 =	vand.u32 $0xFFFFFF80, v10;
	v35 =	vld.idx.msk [tilespmem:v3+s26+$0x0], $0xffff;
	v15 =	vor.u32 v22, v18;
	[tilespmem:v52+s23+$0x0] =	vst.idx.msk $0xffff, v7  }
0xf2: {  	v10 =	vand.u32 $0x7F, v10;
	v7 =	vor.u32 v14, v8;
	v8 =	vadd.s32 v60, v25;
	v62 =	vld.idx.msk [tilespmem:v24+s26+$0x0], $0xffff  }
0xf3: {  	v17 =	vadd.s32 v17, v34;
	v0 =	vor.u32 $0x180, v0;
	v10 =	vor.u32 v10, v8;
	v8 =	vld.idx.msk [tilespmem:v11+s26+$0x0], $0xffff  }
0xf4: {  	v17 =	vor.u32 v20, v17;
	v42 =	vor.u32 $0x80, v4;
	v27 =	vld.idx.msk [tilespmem:v6+s26+$0x0], $0xffff;
	[tilespmem:v12+s23+$0x0] =	vst.idx.msk $0xffff, v31  }
0xf5: {  	v32 =	vor.u32 $0x80, v11;
	v46 =	vadd.s32 $0x2000, v12;
	[tilespmem:v13+s23+$0x0] =	vst.idx.msk $0xffff, v37;
	v21 =	vld.idx.msk [tilespmem:v36+s26+$0x0], $0xffff  }
0xf6: {  	v23 =	vshll.u32 v61, $0x7;
	v39 =	vand.u32 $0xFFFFFF80, v26;
	v29 =	vor.u32 $0x100, v1;
	v43 =	vld.idx.msk [tilespmem:v9+s26+$0x0], $0xffff;
	[tilespmem:v15+s23+$0x0] =	vst.idx.msk $0xffff, v33  }
0xf7: {  	v40 =	vand.u32 $0x7F, v26;
	v41 =	vor.u32 $0x80, v3;
	v47 =	vadd.s32 $0x2000, v15;
	v20 =	vld.idx.msk [tilespmem:v38+s26+$0x0], $0xffff;
	[tilespmem:v63+s23+$0x0] =	vst.idx.msk $0xffff, v62  }
0xf8: {  	v30 =	vor.u32 $0x100, v2;
	v5 =	vadd.s32 $0x6000, v5;
	[tilespmem:v7+s23+$0x0] =	vst.idx.msk $0xffff, v8;
	v8 =	vadd.s32 v23, v39;
	v0 =	vld.idx.msk [tilespmem:v0+s26+$0x0], $0xffff  }
0xf9: {  	[tilespmem:v17+s23+$0x0] =	vst.idx.msk $0xffff, v27;
	v14 =	vld.idx.msk [tilespmem:v42+s26+$0x0], $0xffff;
	v16 =	vor.u32 v40, v8;
	v8 =	vor.u32 $0x80, v6  }
0xfa: {  	v45 =	vor.u32 $0x80, v9;
	v44 =	vadd.s32 $0x2000, v7;
	[tilespmem:v46+s23+$0x0] =	vst.idx.msk $0xffff, v21;
	v22 =	vld.idx.msk [tilespmem:v32+s26+$0x0], $0xffff  }
0xfb: {  	v28 =	vor.u32 $0x100, v11;
	v55 =	vadd.s32 $0x4000, v12;
	v29 =	vld.idx.msk [tilespmem:v29+s26+$0x0], $0xffff;
	[tilespmem:v10+s23+$0x0] =	vst.idx.msk $0xffff, v35  }
0xfc: {  	v1 =	vor.u32 $0x180, v1;
	v48 =	vadd.s32 $0x2000, v10;
	v26 =	vld.idx.msk [tilespmem:v41+s26+$0x0], $0xffff;
	[tilespmem:v47+s23+$0x0] =	vst.idx.msk $0xffff, v20  }
0xfd: {  	v24 =	vld.idx.msk [tilespmem:v30+s26+$0x0], $0xffff;
	[tilespmem:v5+s23+$0x0] =	vst.idx.msk $0xffff, v0;
	v0 =	vadd.s32 $0x2000, v13;
	v5 =	vor.u32 $0x100, v3  }
0xfe: {  	v49 =	vadd.s32 $0x2000, v17;
	v31 =	vor.u32 $0x100, v4;
	v8 =	vld.idx.msk [tilespmem:v8+s26+$0x0], $0xffff;
	[tilespmem:v16+s23+$0x0] =	vst.idx.msk $0xffff, v43  }
0xff: {  	v52 =	vor.u32 $0x100, v6;
	v51 =	vadd.s32 $0x2000, v16;
	[tilespmem:v44+s23+$0x0] =	vst.idx.msk $0xffff, v22;
	v50 =	vld.idx.msk [tilespmem:v45+s26+$0x0], $0xffff  }
0x100: {  	v54 =	vor.u32 $0x100, v9;
	v53 =	vadd.s32 $0x4000, v7;
	[tilespmem:v55+s23+$0x0] =	vst.idx.msk $0xffff, v29;
	v28 =	vld.idx.msk [tilespmem:v28+s26+$0x0], $0xffff  }
0x101: {  	v61 =	vor.u32 $0x180, v6;
	v56 =	vadd.s32 $0x4000, v15;
	v11 =	vor.u32 $0x180, v11;
	v6 =	vld.idx.msk [tilespmem:v1+s26+$0x0], $0xffff;
	[tilespmem:v48+s23+$0x0] =	vst.idx.msk $0xffff, v26  }
0x102: {  	v2 =	vor.u32 $0x180, v2;
	v5 =	vld.idx.msk [tilespmem:v5+s26+$0x0], $0xffff;
	[tilespmem:v0+s23+$0x0] =	vst.idx.msk $0xffff, v14;
	v0 =	vadd.s32 $0x4000, v10  }
0x103: {  	v57 =	vadd.s32 $0x4000, v13;
	v3 =	vor.u32 $0x180, v3;
	[tilespmem:v49+s23+$0x0] =	vst.idx.msk $0xffff, v8;
	v14 =	vld.idx.msk [tilespmem:v31+s26+$0x0], $0xffff  }
0x104: {  	v58 =	vadd.s32 $0x4000, v17;
	v4 =	vor.u32 $0x180, v4;
	v23 =	vld.idx.msk [tilespmem:v52+s26+$0x0], $0xffff;
	[tilespmem:v51+s23+$0x0] =	vst.idx.msk $0xffff, v50  }
0x105: {  	v60 =	vadd.s32 $0x4000, v16;
	[tilespmem:v53+s23+$0x0] =	vst.idx.msk $0xffff, v28;
	v59 =	vld.idx.msk [tilespmem:v54+s26+$0x0], $0xffff  }
0x106: {  	v62 =	vadd.s32 $0x6000, v7;
	v63 =	vor.u32 $0x180, v9;
	[tilespmem:v56+s23+$0x0] =	vst.idx.msk $0xffff, v24;
	v11 =	vld.idx.msk [tilespmem:v11+s26+$0x0], $0xffff  }
0x107: {  	v7 =	vld.idx.msk [tilespmem:v2+s26+$0x0], $0xffff;
	v2 =	vadd.s32 $0x6000, v12;
	[tilespmem:v0+s23+$0x0] =	vst.idx.msk $0xffff, v5  }
0x108: {  	v8 =	vld.idx.msk [tilespmem:v3+s26+$0x0], $0xffff;
	[tilespmem:v57+s23+$0x0] =	vst.idx.msk $0xffff, v14;
	v3 =	vadd.s32 $0x6000, v15  }
0x109: {  	v1 =	vadd.s32 $0x6000, v10;
	[tilespmem:v58+s23+$0x0] =	vst.idx.msk $0xffff, v23;
	v9 =	vld.idx.msk [tilespmem:v4+s26+$0x0], $0xffff  }
0x10a: {  	v10 =	vld.idx.msk [tilespmem:v61+s26+$0x0], $0xffff;
	[tilespmem:v60+s23+$0x0] =	vst.idx.msk $0xffff, v59;
	v4 =	vadd.s32 $0x6000, v13  }
0x10b: {  	s20 =	simm.s32 $0x0;
	s8 =	simm.s32 $0x140C0;
	v5 =	vadd.s32 $0x6000, v17;
	v0 =	vadd.s32 $0x6000, v16;
	[tilespmem:v62+s23+$0x0] =	vst.idx.msk $0xffff, v11;
	v11 =	vld.idx.msk [tilespmem:v63+s26+$0x0], $0xffff  }
.LBB2_7:
0x10c: {  	v12 =	vld [tilespmem:s8+$0x30];
	s20 =	sadd.s32 $0x8, s20;
	[tilespmem:v2+s23+$0x0] =	vst.idx.msk $0xffff, v6  }
0x10d: {  	v2 =	vld [tilespmem:s8+$0xFFFFFFD0];
	p0 =	slt.u32 s20, $0x38;
	[tilespmem:v3+s23+$0x0] =	vst.idx.msk $0xffff, v7  }
0x10e: {  	v3 =	vld [tilespmem:s8+$0xFFFFFFE0];
	[tilespmem:v1+s23+$0x0] =	vst.idx.msk $0xffff, v8  }
0x10f: {  	v1 =	vld [tilespmem:s8+$0xFFFFFFF0];
	[tilespmem:v4+s23+$0x0] =	vst.idx.msk $0xffff, v9  }
0x110: {  	s18 =	sadd.s32 $0x80, s18;
	v4 =	vld [tilespmem:s8+$0x0];
	[tilespmem:v5+s23+$0x0] =	vst.idx.msk $0xffff, v10  }
0x111: {  	s7 =	sadd.s32 $0x80, s7;
	v5 =	vld [tilespmem:s18+$0x30];
	v6 =	vshll.u32 v12, $0x2;
	[tilespmem:v0+s23+$0x0] =	vst.idx.msk $0xffff, v11  }
0x112: {  	v8 =	vand.u32 $0x7F, v12;
	v0 =	vshll.u32 v2, $0x2;
	v7 =	vld [tilespmem:s7+$0x30];
	v6 =	vand.u32 $0xFFFFFE00, v6  }
0x113: {  	v0 =	vand.u32 $0xFFFFFE00, v0;
	v9 =	vshll.u32 v3, $0x2;
	v10 =	vld [tilespmem:s8+$0x10];
	v8 =	vor.u32 v8, v6  }
0x114: {  	v2 =	vand.u32 $0x7F, v2;
	v6 =	vand.u32 $0xFFFFFE00, v9;
	v9 =	vshll.u32 v1, $0x2;
	v11 =	vld [tilespmem:s8+$0x20]  }
0x115: {  	v3 =	vand.u32 $0x7F, v3;
	v12 =	vld [tilespmem:s8+$0xFFFFFFC0];
	v9 =	vand.u32 $0xFFFFFE00, v9;
	v13 =	vshll.u32 v4, $0x2  }
0x116: {  	v1 =	vand.u32 $0x7F, v1;
	v4 =	vand.u32 $0x7F, v4;
	v14 =	vld [tilespmem:s18+$0xFFFFFFC0];
	v13 =	vand.u32 $0xFFFFFE00, v13  }
0x117: {  	v0 =	vor.u32 v2, v0;
	v5 =	vshll.u32 v5, $0x7;
	v15 =	vld [tilespmem:s7+$0xFFFFFFC0];
	v2 =	vand.u32 $0xFFFFFF80, v7  }
0x118: {  	v7 =	vand.u32 $0x7F, v7;
	v16 =	vshll.u32 v10, $0x2;
	v17 =	vld.idx.msk [tilespmem:v8+s26+$0x0], $0xffff;
	v2 =	vadd.s32 v5, v2  }
0x119: {  	v18 =	vld [tilespmem:s18+$0xFFFFFFD0];
	v16 =	vand.u32 $0xFFFFFE00, v16;
	v5 =	vshll.u32 v11, $0x2;
	v7 =	vor.u32 v7, v2  }
0x11a: {  	v21 =	vor.u32 $0x80, v8;
	v2 =	vshll.u32 v12, $0x2;
	v19 =	vld [tilespmem:s7+$0xFFFFFFD0];
	v20 =	vand.u32 $0xFFFFFE00, v5  }
0x11b: {  	v10 =	vand.u32 $0x7F, v10;
	v5 =	vand.u32 $0x7F, v12;
	v2 =	vand.u32 $0xFFFFFE00, v2;
	v12 =	vld [tilespmem:s18+$0xFFFFFFE0]  }
0x11c: {  	v6 =	vor.u32 v3, v6;
	v11 =	vand.u32 $0x7F, v11;
	v5 =	vor.u32 v5, v2;
	v22 =	vld [tilespmem:s7+$0xFFFFFFE0]  }
0x11d: {  	v3 =	vor.u32 v4, v13;
	v4 =	vor.u32 v10, v16;
	v2 =	vor.u32 v1, v9;
	v23 =	vld [tilespmem:s18+$0xFFFFFFF0]  }
0x11e: {  	v10 =	vshll.u32 v14, $0x7;
	v9 =	vand.u32 $0xFFFFFF80, v15;
	v1 =	vor.u32 v11, v20;
	v13 =	vld [tilespmem:s7+$0xFFFFFFF0];
	[tilespmem:v7+s23+$0x0] =	vst.idx.msk $0xffff, v17  }
0x11f: {  	v9 =	vadd.s32 v10, v9;
	v11 =	vshll.u32 v18, $0x7;
	v10 =	vand.u32 $0xFFFFFF80, v19;
	v14 =	vld.idx.msk [tilespmem:v21+s26+$0x0], $0xffff  }
0x120: {  	v16 =	vadd.s32 $0x2000, v7;
	v10 =	vadd.s32 v11, v10;
	v11 =	vshll.u32 v12, $0x7;
	v12 =	vld [tilespmem:s18+$0x0]  }
0x121: {  	v15 =	vand.u32 $0x7F, v15;
	v20 =	vor.u32 $0x100, v8;
	v17 =	vand.u32 $0xFFFFFF80, v22;
	v18 =	vld [tilespmem:s7+$0x0]  }
0x122: {  	v19 =	vand.u32 $0x7F, v19;
	v11 =	vadd.s32 v11, v17;
	v17 =	vshll.u32 v23, $0x7;
	v21 =	vld [tilespmem:s18+$0x10]  }
0x123: {  	v22 =	vand.u32 $0x7F, v22;
	v23 =	vand.u32 $0xFFFFFF80, v13;
	v13 =	vand.u32 $0x7F, v13;
	v24 =	vld [tilespmem:s7+$0x10]  }
0x124: {  	v9 =	vor.u32 v15, v9;
	v10 =	vor.u32 v19, v10;
	v15 =	vadd.s32 v17, v23;
	v17 =	vld [tilespmem:s18+$0x20]  }
0x125: {  	v11 =	vor.u32 v22, v11;
	v13 =	vor.u32 v13, v15;
	v12 =	vshll.u32 v12, $0x7;
	v15 =	vld [tilespmem:s7+$0x20];
	[tilespmem:v16+s23+$0x0] =	vst.idx.msk $0xffff, v14  }
0x126: {  	v14 =	vor.u32 $0x80, v5;
	v16 =	vand.u32 $0xFFFFFF80, v18;
	v18 =	vand.u32 $0x7F, v18;
	v19 =	vld.idx.msk [tilespmem:v20+s26+$0x0], $0xffff  }
0x127: {  	v20 =	vld.idx.msk [tilespmem:v5+s26+$0x0], $0xffff;
	v12 =	vadd.s32 v12, v16;
	v16 =	vshll.u32 v21, $0x7;
	v21 =	vadd.s32 $0x4000, v7  }
0x128: {  	v8 =	vor.u32 $0x180, v8;
	v22 =	vld.idx.msk [tilespmem:v0+s26+$0x0], $0xffff;
	v23 =	vand.u32 $0xFFFFFF80, v24;
	v24 =	vand.u32 $0x7F, v24  }
0x129: {  	v12 =	vor.u32 v18, v12;
	v25 =	vld.idx.msk [tilespmem:v6+s26+$0x0], $0xffff;
	v16 =	vadd.s32 v16, v23;
	v17 =	vshll.u32 v17, $0x7  }
0x12a: {  	v18 =	vld.idx.msk [tilespmem:v2+s26+$0x0], $0xffff;
	v16 =	vor.u32 v24, v16;
	v23 =	vand.u32 $0xFFFFFF80, v15;
	v15 =	vand.u32 $0x7F, v15  }
0x12b: {  	v26 =	vor.u32 $0x80, v6;
	v24 =	vor.u32 $0x80, v0;
	v27 =	vld.idx.msk [tilespmem:v3+s26+$0x0], $0xffff;
	v17 =	vadd.s32 v17, v23  }
0x12c: {  	v28 =	vor.u32 $0x80, v3;
	v23 =	vor.u32 $0x80, v2;
	v29 =	vld.idx.msk [tilespmem:v4+s26+$0x0], $0xffff;
	v15 =	vor.u32 v15, v17;
	[tilespmem:v21+s23+$0x0] =	vst.idx.msk $0xffff, v19  }
0x12d: {  	v17 =	vadd.s32 $0x2000, v9;
	v19 =	vor.u32 $0x80, v4;
	[tilespmem:v9+s23+$0x0] =	vst.idx.msk $0xffff, v20;
	v20 =	vor.u32 $0x80, v1;
	v8 =	vld.idx.msk [tilespmem:v8+s26+$0x0], $0xffff  }
0x12e: {  	v7 =	vadd.s32 $0x6000, v7;
	v21 =	vadd.s32 $0x2000, v10;
	[tilespmem:v10+s23+$0x0] =	vst.idx.msk $0xffff, v22;
	v22 =	vadd.s32 $0x2000, v11;
	v30 =	vld.idx.msk [tilespmem:v1+s26+$0x0], $0xffff  }
0x12f: {  	v31 =	vadd.s32 $0x2000, v12;
	v32 =	vadd.s32 $0x2000, v16;
	v14 =	vld.idx.msk [tilespmem:v14+s26+$0x0], $0xffff;
	[tilespmem:v11+s23+$0x0] =	vst.idx.msk $0xffff, v25;
	v25 =	vadd.s32 $0x2000, v13  }
0x130: {  	v34 =	vor.u32 $0x100, v0;
	v33 =	vor.u32 $0x100, v5;
	v24 =	vld.idx.msk [tilespmem:v24+s26+$0x0], $0xffff;
	[tilespmem:v13+s23+$0x0] =	vst.idx.msk $0xffff, v18;
	v18 =	vadd.s32 $0x2000, v15  }
0x131: {  	v35 =	vor.u32 $0x100, v6;
	v36 =	vor.u32 $0x100, v2;
	v26 =	vld.idx.msk [tilespmem:v26+s26+$0x0], $0xffff;
	[tilespmem:v12+s23+$0x0] =	vst.idx.msk $0xffff, v27;
	v27 =	vor.u32 $0x100, v3  }
0x132: {  	v38 =	vor.u32 $0x100, v1;
	v37 =	vadd.s32 $0x4000, v9;
	v23 =	vld.idx.msk [tilespmem:v23+s26+$0x0], $0xffff;
	[tilespmem:v16+s23+$0x0] =	vst.idx.msk $0xffff, v29;
	v29 =	vor.u32 $0x100, v4  }
0x133: {  	s9 =	simm.s32 $0x0;
	v39 =	vadd.s32 $0x4000, v10;
	v40 =	vadd.s32 $0x4000, v11;
	v41 =	vadd.s32 $0x4000, v13;
	v28 =	vld.idx.msk [tilespmem:v28+s26+$0x0], $0xffff;
	[tilespmem:v7+s23+$0x0] =	vst.idx.msk $0xffff, v8  }
0x134: {  	v42 =	vadd.s32 $0x4000, v12;
	v7 =	vld.idx.msk [tilespmem:v19+s26+$0x0], $0xffff;
	v19 =	vadd.s32 $0x4000, v16;
	[tilespmem:v15+s23+$0x0] =	vst.idx.msk $0xffff, v30;
	v30 =	vadd.s32 $0x4000, v15  }
0x135: {  	v8 =	vor.u32 $0x180, v5;
	[tilespmem:v17+s23+$0x0] =	vst.idx.msk $0xffff, v14;
	v14 =	vor.u32 $0x180, v0;
	v17 =	vor.u32 $0x180, v6;
	v6 =	vld.idx.msk [tilespmem:v20+s26+$0x0], $0xffff  }
0x136: {  	v20 =	vld.idx.msk [tilespmem:v33+s26+$0x0], $0xffff;
	[tilespmem:v21+s23+$0x0] =	vst.idx.msk $0xffff, v24;
	v21 =	vor.u32 $0x180, v2;
	v24 =	vor.u32 $0x180, v3;
	v33 =	vor.u32 $0x180, v4  }
0x137: {  	v43 =	vadd.s32 $0x6000, v9;
	v2 =	vadd.s32 $0x6000, v10;
	v9 =	vld.idx.msk [tilespmem:v34+s26+$0x0], $0xffff;
	[tilespmem:v22+s23+$0x0] =	vst.idx.msk $0xffff, v26;
	v22 =	vor.u32 $0x180, v1  }
0x138: {  	v3 =	vadd.s32 $0x6000, v11;
	v4 =	vadd.s32 $0x6000, v12;
	v1 =	vadd.s32 $0x6000, v13;
	v10 =	vld.idx.msk [tilespmem:v35+s26+$0x0], $0xffff;
	[tilespmem:v25+s23+$0x0] =	vst.idx.msk $0xffff, v23  }
0x139: {  	v5 =	vadd.s32 $0x6000, v16;
	v0 =	vadd.s32 $0x6000, v15;
	v11 =	vld.idx.msk [tilespmem:v36+s26+$0x0], $0xffff;
	[tilespmem:v31+s23+$0x0] =	vst.idx.msk $0xffff, v28  }
0x13a: {  	v12 =	vld.idx.msk [tilespmem:v27+s26+$0x0], $0xffff;
	[tilespmem:v32+s23+$0x0] =	vst.idx.msk $0xffff, v7  }
0x13b: {  	v13 =	vld.idx.msk [tilespmem:v29+s26+$0x0], $0xffff;
	[tilespmem:v18+s23+$0x0] =	vst.idx.msk $0xffff, v6  }
0x13c: {  	[tilespmem:v37+s23+$0x0] =	vst.idx.msk $0xffff, v20;
	v15 =	vld.idx.msk [tilespmem:v38+s26+$0x0], $0xffff  }
0x13d: {  	v16 =	vld.idx.msk [tilespmem:v8+s26+$0x0], $0xffff;
	[tilespmem:v39+s23+$0x0] =	vst.idx.msk $0xffff, v9  }
0x13e: {  	v6 =	vld.idx.msk [tilespmem:v14+s26+$0x0], $0xffff;
	[tilespmem:v40+s23+$0x0] =	vst.idx.msk $0xffff, v10  }
.Ltmp2:
0x13f: {  	v7 =	vld.idx.msk [tilespmem:v17+s26+$0x0], $0xffff;
	[tilespmem:v41+s23+$0x0] =	vst.idx.msk $0xffff, v11;
	(pc) =	sbr.rel @p0 .LBB2_7-.Ltmp2, $4  }
0x140: {  	v8 =	vld.idx.msk [tilespmem:v21+s26+$0x0], $0xffff;
	[tilespmem:v42+s23+$0x0] =	vst.idx.msk $0xffff, v12  }
0x141: {  	v9 =	vld.idx.msk [tilespmem:v24+s26+$0x0], $0xffff;
	[tilespmem:v19+s23+$0x0] =	vst.idx.msk $0xffff, v13  }
0x142: {  	v10 =	vld.idx.msk [tilespmem:v33+s26+$0x0], $0xffff;
	[tilespmem:v30+s23+$0x0] =	vst.idx.msk $0xffff, v15  }
0x143: {  	s8 =	sadd.s32 $0x80, s8;
	[tilespmem:v43+s23+$0x0] =	vst.idx.msk $0xffff, v16;
	v11 =	vld.idx.msk [tilespmem:v22+s26+$0x0], $0xffff  }
0x144: {  	_ =	sdelay $0x3  }
0x145: {  	[tilespmem:v2+s23+$0x0] =	vst.idx.msk $0xffff, v6  }
0x146: {  	[tilespmem:v3+s23+$0x0] =	vst.idx.msk $0xffff, v7  }
0x147: {  	[tilespmem:v1+s23+$0x0] =	vst.idx.msk $0xffff, v8  }
0x148: {  	[tilespmem:v4+s23+$0x0] =	vst.idx.msk $0xffff, v9  }
0x149: {  	[tilespmem:v5+s23+$0x0] =	vst.idx.msk $0xffff, v10  }
0x14a: {  	[tilespmem:v0+s23+$0x0] =	vst.idx.msk $0xffff, v11  }
.LBB2_9:
0x14b: {  	s7 =	sshra.s32 s9, $0x2  }
0x14c: {  	v0 =	vld [tilespmem:s7+$0x14400];
	_ =	sdelay $0x3  }
0x14d: {  	v1 =	vld [tilespmem:s7+$0x14880]  }
0x14e: {  	v2 =	vld [tilespmem:s7+$0x14D00];
	v3 =	vshll.u32 v0, $0x2  }
0x14f: {  	v0 =	vand.u32 $0x7F, v0;
	v3 =	vand.u32 $0xFFFFFE00, v3  }
0x150: {  	v0 =	vor.u32 v0, v3;
	_ =	sdelay $0x2  }
0x151: {  	v59 =	vand.u32 $0xFFFFFF80, v2;
	v1 =	vshll.u32 v1, $0x7  }
0x152: {  	v2 =	vand.u32 $0x7F, v2;
	v1 =	vadd.s32 v1, v59  }
0x153: {  	v1 =	vor.u32 v2, v1;
	v60 =	vld.idx.msk [tilespmem:v0+s26+$0x0], $0xffff  }
0x154: {  	v61 =	vor.u32 $0x80, v0;
	_ =	sdelay $0x3  }
0x155: {  	[tilespmem:v1+s23+$0x0] =	vst.idx.msk $0xffff, v60  }
0x156: {  	v62 =	vadd.s32 $0x2000, v1;
	v2 =	vld.idx.msk [tilespmem:v61+s26+$0x0], $0xffff  }
0x157: {  	v4 =	vor.u32 $0x100, v0;
	_ =	sdelay $0x3  }
0x158: {  	[tilespmem:v62+s23+$0x0] =	vst.idx.msk $0xffff, v2  }
0x159: {  	v63 =	vadd.s32 $0x4000, v1;
	v2 =	vld.idx.msk [tilespmem:v4+s26+$0x0], $0xffff  }
0x15a: {  	v0 =	vor.u32 $0x180, v0;
	_ =	sdelay $0x3  }
0x15b: {  	[tilespmem:v63+s23+$0x0] =	vst.idx.msk $0xffff, v2  }
0x15c: {  	p0 =	sne.s32 s9, $0x100;
	v1 =	vadd.s32 $0x6000, v1;
	v0 =	vld.idx.msk [tilespmem:v0+s26+$0x0], $0xffff  }
.Ltmp3:
0x15d: {  	_ = 	snop;
	(pc) =	sbr.rel @p0 .LBB2_9-.Ltmp3, $2  }
0x15e: {  	_ =	sdelay $0x2  }
0x15f: {  	s9 =	sadd.s32 $0x40, s9;
	[tilespmem:v1+s23+$0x0] =	vst.idx.msk $0xffff, v0  }
0x160: {  	s0 =	sadd.s32 $0x1, s0  }
0x161: {  	s2 =	sadd.s32 s4, s2;
	p0 =	sne.s32 s0, $0x20  }
.Ltmp4:
0x162: {  	s2 =	sshll.u32 s2, $0xD;
	(pc) =	sbr.rel @p0 .LBB2_2-.Ltmp4, $4  }
0x163: {  	s2 =	sadd.s32 s12, s2  }
0x164: {  	s2 =	sshrl.u32 s2, $0x3  }
0x165: {  	s2 =	sadd.s32 s10, s2  }
0x166: {  	[hbm4b:s2+s3] =	stream.linear.scatter [tilespmem:s23], [sflag:$0x4], $0x8000, $0x38;
	[tilespmem:$0x14D80] =	vst v63  }
0x167: {  	s31 =	sadd.s32 $0x1, s31  }
0x168: {  	_ =	swait.ge [sflag:s29], $0x8000;
	p0 =	sne.s32 s31, s17  }
.Ltmp5:
0x169: {  	[sflag:s29] =	ssyncset.done $0x0;
	(pc) =	sbr.rel @p0 .LBB2_1-.Ltmp5, $4  }
0x16a: {  	[sflag:s29] =	ssyncadd.s32 $0xFFFF8000  }
0x16b: {  	_ =	swait.ge [sflag:s30], $0x8000  }
0x16c: {  	[sflag:s30] =	ssyncset.done $0x0  }
0x16d: {  	[sflag:s30] =	ssyncadd.s32 $0xFFFF8000  }
0x16e: {  	_ =	sfence.sel $0x180000  }
0x16f: {  	[bflag:$0x0] =	sbarrier.arrive $0xFFFF  }
0x170: {  	_ =	strace $0x90000047  }
0x171: {  	s0 =	stileid.u32;
	[bflag:$0x2] =	sbarrier.arrive $0xFFFF  }
0x172: {  	p0 =	sne.s32 s0, $0x0;
	s0 =	rddreg [dreg:$0x2]  }
0x173: {  	s0 =	sadd.s32 @!p0 $0x100000, s0  }
0x174: {  	[sflag:s0] =	ssyncadd.tile.s32 @!p0 $0x1;
	_ =	shalt  }
.Lfunc_end2:
_tile_overlayer_lowered:
.L_overlay_start_2:
0x175: {  	(tag) =	ssettag $0x2  }
0x176: {  	s0 =	rddreg [dreg:$0x0];
	s2 =	stileid.u32  }
0x177: {  	s1 =	rddreg [dreg:$0x1];
	p0 =	sne.s32 s2, $0x0  }
0x178: {  	s3 =	rddreg [dreg:$0x2];
	[bflag:$0x3] =	sbarrier.arrive $0xFFFF;
	s2 =	simm.s32 @!p0 $0x1C05  }
0x179: {  	[timem:s3], [sflag:s2] =	dma.local @!p0 [hbm:s0], s1  }
0x17a: {  	s0 =	simm.s32 @!p0 $0x5  }
0x17b: {  	_ =	swait.ge @!p0 [sflag:s0], s1  }
0x17c: {  	s1 =	ssub.s32 @!p0 $0x0, s1;
	[sflag:s0] =	ssyncset.done @!p0 $0x0  }
0x17d: {  	[sflag:s0] =	ssyncadd.s32 @!p0 s1  }
0x17e: {  	[bflag:$0x3] =	sbarrier.arrive $0xFFFF  }
0x17f: {  	_ =	shalt  }

</sc_bundles>
